<compile_context>
chip_gen: v7x
topology: tpu7x:2x2x1
jax: 0.10.2.dev20260603
libtpu: 0.0.44.dev20260713+nightly
codegen_flags: <defaults>
</compile_context>

<pallas_src>
import jax
import jax.numpy as jnp
from jax import lax
from jax.experimental import pallas as pl
from jax.experimental.pallas import tpu as pltpu
from jax.experimental.pallas import tpu_sc as plsc

N_NODES = 10000
N_EDGES = 320000
D = 128
ED = 16
H = 128

NC, NS = 2, 16
NW = NC * NS
E_PAD = 327680
EPW = E_PAD // NW
CH = 128
NCH = EPW // CH
K = 5
OUTER = NCH // K
SCH = 128
NSCH = EPW // SCH
ACC = 10240
DUMMY = N_NODES
NS_Z = 10
NZ = ACC // NS_Z
NWB = N_NODES // NS_Z

NODE_TILE = 2000
EDGE_TILE = 2048



def _node_proj_body(x_ref, ws_ref, wd_ref, p_ref, q_ref):
    x = x_ref[...]
    p_ref[...] = jnp.dot(x, ws_ref[...], preferred_element_type=jnp.float32)
    q_ref[...] = jnp.dot(x, wd_ref[...], preferred_element_type=jnp.float32)


def _node_proj(x, ws, wd):
    n_tiles = N_NODES // NODE_TILE
    return pl.pallas_call(
        _node_proj_body,
        grid=(n_tiles,),
        in_specs=[
            pl.BlockSpec((NODE_TILE, D), lambda t: (t, 0)),
            pl.BlockSpec((D, H), lambda t: (0, 0)),
            pl.BlockSpec((D, H), lambda t: (0, 0)),
        ],
        out_specs=[
            pl.BlockSpec((NODE_TILE, H), lambda t: (t, 0)),
            pl.BlockSpec((NODE_TILE, H), lambda t: (t, 0)),
        ],
        out_shape=[
            jax.ShapeDtypeStruct((N_NODES, H), jnp.float32),
            jax.ShapeDtypeStruct((N_NODES, H), jnp.float32),
        ],
    )(x, ws, wd)



def _gather_body(p_hbm, q_hbm, src_hbm, dstg_hbm, gs_hbm, gd_hbm,
                 idxs_v, idxd_v, rows_v, gsem, wsem):
    c = lax.axis_index("c")
    s = lax.axis_index("s")
    wid = s * NC + c
    ebase = wid * EPW
    pltpu.sync_copy(src_hbm.at[pl.ds(ebase, EPW)], idxs_v)
    pltpu.sync_copy(dstg_hbm.at[pl.ds(ebase, EPW)], idxd_v)

    def run(tab, idx_v, out_hbm):
        def outer(o, carry):
            j0 = o * K
            hs = [pltpu.async_copy(
                      tab.at[idx_v.at[pl.ds((j0 + b) * CH, CH)]],
                      rows_v.at[b], gsem)
                  for b in range(K)]
            for h_ in hs:
                h_.wait()
            ws_ = [pltpu.async_copy(
                       rows_v.at[b],
                       out_hbm.at[pl.ds(ebase + (j0 + b) * CH, CH)], wsem)
                   for b in range(K)]
            for w_ in ws_:
                w_.wait()
            return carry
        lax.fori_loop(0, OUTER, outer, 0)

    run(p_hbm, idxs_v, gs_hbm)
    run(q_hbm, idxd_v, gd_hbm)


_gather = pl.kernel(
    _gather_body,
    out_type=(
        jax.ShapeDtypeStruct((E_PAD, D), jnp.float32),
        jax.ShapeDtypeStruct((E_PAD, D), jnp.float32),
    ),
    mesh=plsc.VectorSubcoreMesh(core_axis_name="c", subcore_axis_name="s"),
    compiler_params=pltpu.CompilerParams(use_tc_tiling_on_sc=False),
    scratch_types=[
        pltpu.VMEM((EPW,), jnp.int32),
        pltpu.VMEM((EPW,), jnp.int32),
        pltpu.VMEM((K, CH, D), jnp.float32),
        pltpu.SemaphoreType.DMA,
        pltpu.SemaphoreType.DMA,
    ],
)



def _edge_mlp_body(gs_ref, gd_ref, ef_ref, w1m_ref, b1_ref, w2_ref, b2_ref,
                   out_ref):
    pre = (gs_ref[...] + gd_ref[...]
           + jnp.dot(ef_ref[...], w1m_ref[...],
                     preferred_element_type=jnp.float32)
           + b1_ref[...])
    h = jnp.maximum(pre, 0.0)
    out_ref[...] = (jnp.dot(h, w2_ref[...], preferred_element_type=jnp.float32)
                    + b2_ref[...])


def _edge_mlp(gs, gd, ef, w1m, b1, w2, b2):
    n_tiles = E_PAD // EDGE_TILE
    return pl.pallas_call(
        _edge_mlp_body,
        grid=(n_tiles,),
        in_specs=[
            pl.BlockSpec((EDGE_TILE, H), lambda t: (t, 0)),
            pl.BlockSpec((EDGE_TILE, H), lambda t: (t, 0)),
            pl.BlockSpec((EDGE_TILE, ED), lambda t: (t, 0)),
            pl.BlockSpec((ED, H), lambda t: (0, 0)),
            pl.BlockSpec((1, H), lambda t: (0, 0)),
            pl.BlockSpec((H, ED), lambda t: (0, 0)),
            pl.BlockSpec((1, ED), lambda t: (0, 0)),
        ],
        out_specs=pl.BlockSpec((EDGE_TILE, ED), lambda t: (t, 0)),
        out_shape=jax.ShapeDtypeStruct((E_PAD, ED), jnp.float32),
    )(gs, gd, ef, w1m, b1, w2, b2)



def _segsum_body(eupd_hbm, dsts_hbm, out_hbm, acc_shr, idx_v, rows_v, zbuf):
    c = lax.axis_index("c")
    s = lax.axis_index("s")
    wid = s * NC + c

    def zrow(i, carry):
        zbuf[i] = jnp.zeros((ED,), jnp.float32)
        return carry
    lax.fori_loop(0, NZ, zrow, 0)

    @pl.when(s < NS_Z)
    def _():
        pltpu.sync_copy(zbuf, acc_shr.at[pl.ds(s * NZ, NZ)])
    plsc.subcore_barrier()

    pltpu.sync_copy(dsts_hbm.at[pl.ds(wid * EPW, EPW)], idx_v)

    def chunk(j, carry):
        pltpu.sync_copy(eupd_hbm.at[pl.ds(wid * EPW + j * SCH, SCH)], rows_v)
        pltpu.sync_copy(rows_v, acc_shr.at[idx_v.at[pl.ds(j * SCH, SCH)]],
                        add=True)
        return carry
    lax.fori_loop(0, NSCH, chunk, 0)
    plsc.subcore_barrier()

    @pl.when(s < NS_Z)
    def _():
        pltpu.sync_copy(acc_shr.at[pl.ds(s * NWB, NWB)],
                        zbuf.at[pl.ds(0, NWB)])
        pltpu.sync_copy(zbuf.at[pl.ds(0, NWB)],
                        out_hbm.at[pl.ds(c * N_NODES + s * NWB, NWB)])


_segsum = pl.kernel(
    _segsum_body,
    out_type=jax.ShapeDtypeStruct((NC * N_NODES, ED), jnp.float32),
    mesh=plsc.VectorSubcoreMesh(core_axis_name="c", subcore_axis_name="s"),
    compiler_params=pltpu.CompilerParams(use_tc_tiling_on_sc=False),
    scratch_types=[
        pltpu.VMEM_SHARED((ACC, ED), jnp.float32),
        pltpu.VMEM((EPW,), jnp.int32),
        pltpu.VMEM((SCH, ED), jnp.float32),
        pltpu.VMEM((NZ, ED), jnp.float32),
    ],
)



def _node_mlp_body(x_ref, e0_ref, e1_ref, w1x_ref, w1e_ref, b1_ref, w2_ref,
                   b2_ref, out_ref):
    es = e0_ref[...] + e1_ref[...]
    h = jnp.maximum(
        jnp.dot(x_ref[...], w1x_ref[...], preferred_element_type=jnp.float32)
        + jnp.dot(es, w1e_ref[...], preferred_element_type=jnp.float32)
        + b1_ref[...], 0.0)
    out_ref[...] = (jnp.dot(h, w2_ref[...], preferred_element_type=jnp.float32)
                    + b2_ref[...])


def _node_mlp(x, eparts, w1x, w1e, b1, w2, b2):
    n_tiles = N_NODES // NODE_TILE
    half = N_NODES // NODE_TILE
    return pl.pallas_call(
        _node_mlp_body,
        grid=(n_tiles,),
        in_specs=[
            pl.BlockSpec((NODE_TILE, D), lambda t: (t, 0)),
            pl.BlockSpec((NODE_TILE, ED), lambda t: (t, 0)),
            pl.BlockSpec((NODE_TILE, ED), lambda t: (t + half, 0)),
            pl.BlockSpec((D, H), lambda t: (0, 0)),
            pl.BlockSpec((ED, H), lambda t: (0, 0)),
            pl.BlockSpec((1, H), lambda t: (0, 0)),
            pl.BlockSpec((H, D), lambda t: (0, 0)),
            pl.BlockSpec((1, D), lambda t: (0, 0)),
        ],
        out_specs=pl.BlockSpec((NODE_TILE, D), lambda t: (t, 0)),
        out_shape=jax.ShapeDtypeStruct((N_NODES, D), jnp.float32),
    )(x, eparts, eparts, w1x, w1e, b1, w2, b2)



def kernel(node_features, edge_index, edge_features,
           W1_e, b1_e, W2_e, b2_e, W1_n, b1_n, W2_n, b2_n):
    src = edge_index[0].astype(jnp.int32)
    dst = edge_index[1].astype(jnp.int32)
    npad = E_PAD - N_EDGES
    src_p = jnp.concatenate([src, jnp.zeros((npad,), jnp.int32)])
    dstg_p = jnp.concatenate([dst, jnp.zeros((npad,), jnp.int32)])
    dsts_p = jnp.concatenate([dst, jnp.full((npad,), DUMMY, jnp.int32)])
    ef_p = jnp.concatenate(
        [edge_features, jnp.zeros((npad, ED), jnp.float32)])

    w1s = W1_e[:D]
    w1m = W1_e[D:D + ED]
    w1d = W1_e[D + ED:]
    w1x = W1_n[:D]
    w1e = W1_n[D:]
    b1e = b1_e.reshape(1, H)
    b2e = b2_e.reshape(1, ED)
    b1n = b1_n.reshape(1, H)
    b2n = b2_n.reshape(1, D)

    p, q = _node_proj(node_features, w1s, w1d)
    gs, gd = _gather(p, q, src_p, dstg_p)
    e_up_pad = _edge_mlp(gs, gd, ef_p, w1m, b1e, W2_e, b2e)
    eparts = _segsum(e_up_pad, dsts_p)
    h_updated = _node_mlp(node_features, eparts, w1x, w1e, b1n, W2_n, b2n)
    e_updated = e_up_pad[:N_EDGES]
    return (h_updated, e_updated)

# --- scband reference (transcript-rebuilt; emitter-appended) ---
"""Pipeline reference for scband-mpnnlayer-18854906429487 (READ-ONLY COPY).

The authoritative reference and input builder live on the scoring server;
editing this copy changes nothing except your own understanding.
"""

import jax, jax.numpy as jnp
import numpy as np

N_NODES = 10000
N_EDGES = 320000
NODE_DIM = 128
EDGE_DIM = 16
HIDDEN_DIM = 128


def setup_inputs(seed: int = 0) -> dict:
    key = jax.random.key(seed)
    ks = jax.random.split(key, 12)
    node_features = jax.random.normal(ks[0], (N_NODES, NODE_DIM), dtype=jnp.float32)
    edge_index = jax.random.randint(ks[1], (2, N_EDGES), 0, N_NODES, dtype=jnp.int64)
    edge_features = jax.random.normal(ks[2], (N_EDGES, EDGE_DIM), dtype=jnp.float32)
    # edge_update MLP: Linear(2*node_dim + edge_dim -> hidden), ReLU, Linear(hidden -> edge_dim)
    in_e = 2 * NODE_DIM + EDGE_DIM
    W1_e = jax.random.normal(ks[3], (in_e, HIDDEN_DIM), dtype=jnp.float32) * (1.0 / np.sqrt(in_e))
    b1_e = jnp.zeros((HIDDEN_DIM,), dtype=jnp.float32)
    W2_e = jax.random.normal(ks[4], (HIDDEN_DIM, EDGE_DIM), dtype=jnp.float32) * (1.0 / np.sqrt(HIDDEN_DIM))
    b2_e = jnp.zeros((EDGE_DIM,), dtype=jnp.float32)
    # node_update MLP: Linear(node_dim + edge_dim -> hidden), ReLU, Linear(hidden -> node_dim)
    in_n = NODE_DIM + EDGE_DIM
    W1_n = jax.random.normal(ks[5], (in_n, HIDDEN_DIM), dtype=jnp.float32) * (1.0 / np.sqrt(in_n))
    b1_n = jnp.zeros((HIDDEN_DIM,), dtype=jnp.float32)
    W2_n = jax.random.normal(ks[6], (HIDDEN_DIM, NODE_DIM), dtype=jnp.float32) * (1.0 / np.sqrt(HIDDEN_DIM))
    b2_n = jnp.zeros((NODE_DIM,), dtype=jnp.float32)
    return {
        "node_features": node_features,
        "edge_index": edge_index,
        "edge_features": edge_features,
        "W1_e": W1_e, "b1_e": b1_e, "W2_e": W2_e, "b2_e": b2_e,
        "W1_n": W1_n, "b1_n": b1_n, "W2_n": W2_n, "b2_n": b2_n,
    }


def reference(node_features, edge_index, edge_features,
              W1_e, b1_e, W2_e, b2_e, W1_n, b1_n, W2_n, b2_n):
    src = edge_index[0]
    dst = edge_index[1]
    h_src = jnp.take(node_features, src, axis=0)
    h_dst = jnp.take(node_features, dst, axis=0)
    # message_func: concat [src_h, e, dst_h] -> edge_update MLP
    concat_features = jnp.concatenate([h_src, edge_features, h_dst], axis=1)
    e_hidden = jnp.maximum(concat_features @ W1_e + b1_e, 0.0)
    e_updated = e_hidden @ W2_e + b2_e
    # reduce_func: sum messages per destination node, then node_update MLP
    e_sum = jax.ops.segment_sum(e_updated, dst, num_segments=N_NODES)
    node_input = jnp.concatenate([node_features, e_sum], axis=1)
    n_hidden = jnp.maximum(node_input @ W1_n + b1_n, 0.0)
    h_updated = n_hidden @ W2_n + b2_n
    return (h_updated, e_updated)

if __name__ == "__main__":
    import jax
    _d = setup_inputs()
    print(jax.jit(kernel)(*tuple(_d.values())))

</pallas_src>

<mosaic_0001>
#map = affine_map<(d0, d1) -> (0, 0)>
#map1 = affine_map<(d0, d1) -> (0)>
module attributes {stable_mosaic.version = 14 : i64} {
  func.func @_gather_body(%arg0: i32, %arg1: i32, %arg2: memref<10000x128xf32, #tpu.memory_space<hbm>>, %arg3: memref<10000x128xf32, #tpu.memory_space<hbm>>, %arg4: memref<327680xi32, #tpu.memory_space<hbm>>, %arg5: memref<327680xi32, #tpu.memory_space<hbm>>, %arg6: memref<327680x128xf32, #tpu.memory_space<hbm>>, %arg7: memref<327680x128xf32, #tpu.memory_space<hbm>>, %arg8: memref<10240xi32, #tpu.memory_space<vmem>>, %arg9: memref<10240xi32, #tpu.memory_space<vmem>>, %arg10: memref<5x128x128xf32, #tpu.memory_space<vmem>>, %arg11: memref<!tpu.dma_semaphore, #tpu.memory_space<semaphore_mem>>, %arg12: memref<!tpu.dma_semaphore, #tpu.memory_space<semaphore_mem>>) attributes {dimension_semantics = [#tpu.dimension_semantics<core_parallel>, #tpu.dimension_semantics<subcore_parallel>], iteration_bounds = array<i64: 2, 16>, scalar_prefetch = 0 : i64, scratch_operands = 5 : i64, tpu.core_type = #tpu.core_type<sc_vector_subcore>, window_params = [{transform_indices = #map}, {transform_indices = #map}, {transform_indices = #map1}, {transform_indices = #map1}, {transform_indices = #map}, {transform_indices = #map}]} {
    %mul3A = arith.constant 2 : i32
    %mul3A_0 = arith.muli %arg1, %mul3A : i32
    %add3A = arith.addi %mul3A_0, %arg0 : i32
    %mul3A_1 = arith.constant 10240 : i32
    %mul3A_2 = arith.muli %add3A, %mul3A_1 : i32
    "tpu.region"() ({
      %run_scoped3A = tpu.sem_alloc : memref<!tpu.dma_semaphore, #tpu.memory_space<semaphore_mem>>
      %dma_start3A = tpu.memref_slice %arg4[%mul3A_2] : memref<327680xi32, #tpu.memory_space<hbm>> -> memref<10240xi32, #tpu.memory_space<hbm>>
      %dma_start3A_14 = tpu.memref_slice %arg4[%mul3A_2] : memref<327680xi32, #tpu.memory_space<hbm>> -> memref<10240xi32, #tpu.memory_space<hbm>>
      tpu.enqueue_dma source(%dma_start3A_14 : memref<10240xi32, #tpu.memory_space<hbm>>) target(%arg8 : memref<10240xi32, #tpu.memory_space<vmem>>) target_semaphore(%run_scoped3A : memref<!tpu.dma_semaphore, #tpu.memory_space<semaphore_mem>>)
      %dma_wait3A = tpu.memref_slice %arg4[%mul3A_2] : memref<327680xi32, #tpu.memory_space<hbm>> -> memref<10240xi32, #tpu.memory_space<hbm>>
      %dma_wait3A_15 = tpu.memref_slice %arg4[%mul3A_2] : memref<327680xi32, #tpu.memory_space<hbm>> -> memref<10240xi32, #tpu.memory_space<hbm>>
      tpu.wait_dma2 semaphore(%run_scoped3A : memref<!tpu.dma_semaphore, #tpu.memory_space<semaphore_mem>>) src(%dma_wait3A_15 : memref<10240xi32, #tpu.memory_space<hbm>>) dst(%arg8 : memref<10240xi32, #tpu.memory_space<vmem>>)
      tpu.yield
    }) : () -> ()
    "tpu.region"() ({
      %run_scoped3A = tpu.sem_alloc : memref<!tpu.dma_semaphore, #tpu.memory_space<semaphore_mem>>
      %dma_start3A = tpu.memref_slice %arg5[%mul3A_2] : memref<327680xi32, #tpu.memory_space<hbm>> -> memref<10240xi32, #tpu.memory_space<hbm>>
      %dma_start3A_14 = tpu.memref_slice %arg5[%mul3A_2] : memref<327680xi32, #tpu.memory_space<hbm>> -> memref<10240xi32, #tpu.memory_space<hbm>>
      tpu.enqueue_dma source(%dma_start3A_14 : memref<10240xi32, #tpu.memory_space<hbm>>) target(%arg9 : memref<10240xi32, #tpu.memory_space<vmem>>) target_semaphore(%run_scoped3A : memref<!tpu.dma_semaphore, #tpu.memory_space<semaphore_mem>>)
      %dma_wait3A = tpu.memref_slice %arg5[%mul3A_2] : memref<327680xi32, #tpu.memory_space<hbm>> -> memref<10240xi32, #tpu.memory_space<hbm>>
      %dma_wait3A_15 = tpu.memref_slice %arg5[%mul3A_2] : memref<327680xi32, #tpu.memory_space<hbm>> -> memref<10240xi32, #tpu.memory_space<hbm>>
      tpu.wait_dma2 semaphore(%run_scoped3A : memref<!tpu.dma_semaphore, #tpu.memory_space<semaphore_mem>>) src(%dma_wait3A_15 : memref<10240xi32, #tpu.memory_space<hbm>>) dst(%arg9 : memref<10240xi32, #tpu.memory_space<vmem>>)
      tpu.yield
    }) : () -> ()
    %scan3A = arith.constant 0 : i32
    %scan3A_3 = arith.constant 0 : i32
    %scan3A_4 = arith.constant 16 : i32
    %scan3A_5 = arith.addi %scan3A_3, %scan3A_4 : i32
    %scan3A_6 = arith.constant 1 : i32
    scf.for %scan3A_14 = %scan3A_3 to %scan3A_5 step %scan3A_6  : i32 {
      %mul3A_15 = arith.constant 5 : i32
      %mul3A_16 = arith.muli %scan3A_14, %mul3A_15 : i32
      %add3A_17 = arith.constant 0 : i32
      %add3A_18 = arith.addi %mul3A_16, %add3A_17 : i32
      %mul3A_19 = arith.constant 128 : i32
      %mul3A_20 = arith.muli %add3A_18, %mul3A_19 : i32
      %dma_start3A = arith.constant 0 : i32
      %dma_start3A_21 = arith.constant 0 : i32
      %dma_start3A_22 = arith.constant 0 : i32
      %dma_start3A_23 = tpu.memref_slice %arg10[%dma_start3A, %dma_start3A_21, %dma_start3A_22] : memref<5x128x128xf32, #tpu.memory_space<vmem>> -> memref<1x128x128xf32, #tpu.memory_space<vmem>>
      %dma_start3A_24 = tpu.memref_squeeze %dma_start3A_23 : memref<1x128x128xf32, #tpu.memory_space<vmem>> -> memref<128x128xf32, #tpu.memory_space<vmem>>
      %dma_start3A_25 = tpu.memref_slice %arg8[%mul3A_20] : memref<10240xi32, #tpu.memory_space<vmem>> -> memref<128xi32, #tpu.memory_space<vmem>>
      %dma_start3A_26 = arith.constant 0 : i32
      %dma_start3A_27 = arith.constant 0 : i32
      %dma_start3A_28 = tpu.memref_slice %arg2[%dma_start3A_26, %dma_start3A_27] : memref<10000x128xf32, #tpu.memory_space<hbm>> -> memref<10000x128xf32, #tpu.memory_space<hbm>>
      tpu.enqueue_indirect_dma source(%dma_start3A_28 : memref<10000x128xf32, #tpu.memory_space<hbm>>) target(%dma_start3A_24 : memref<128x128xf32, #tpu.memory_space<vmem>>) offsets(%dma_start3A_25 : memref<128xi32, #tpu.memory_space<vmem>>) semaphore(%arg11 : memref<!tpu.dma_semaphore, #tpu.memory_space<semaphore_mem>>)
      %add3A_29 = arith.constant 1 : i32
      %add3A_30 = arith.addi %mul3A_16, %add3A_29 : i32
      %mul3A_31 = arith.constant 128 : i32
      %mul3A_32 = arith.muli %add3A_30, %mul3A_31 : i32
      %dma_start3A_33 = arith.constant 1 : i32
      %dma_start3A_34 = arith.constant 0 : i32
      %dma_start3A_35 = arith.constant 0 : i32
      %dma_start3A_36 = tpu.memref_slice %arg10[%dma_start3A_33, %dma_start3A_34, %dma_start3A_35] : memref<5x128x128xf32, #tpu.memory_space<vmem>> -> memref<1x128x128xf32, #tpu.memory_space<vmem>>
      %dma_start3A_37 = tpu.memref_squeeze %dma_start3A_36 : memref<1x128x128xf32, #tpu.memory_space<vmem>> -> memref<128x128xf32, #tpu.memory_space<vmem>>
      %dma_start3A_38 = tpu.memref_slice %arg8[%mul3A_32] : memref<10240xi32, #tpu.memory_space<vmem>> -> memref<128xi32, #tpu.memory_space<vmem>>
      %dma_start3A_39 = arith.constant 0 : i32
      %dma_start3A_40 = arith.constant 0 : i32
      %dma_start3A_41 = tpu.memref_slice %arg2[%dma_start3A_39, %dma_start3A_40] : memref<10000x128xf32, #tpu.memory_space<hbm>> -> memref<10000x128xf32, #tpu.memory_space<hbm>>
      tpu.enqueue_indirect_dma source(%dma_start3A_41 : memref<10000x128xf32, #tpu.memory_space<hbm>>) target(%dma_start3A_37 : memref<128x128xf32, #tpu.memory_space<vmem>>) offsets(%dma_start3A_38 : memref<128xi32, #tpu.memory_space<vmem>>) semaphore(%arg11 : memref<!tpu.dma_semaphore, #tpu.memory_space<semaphore_mem>>)
      %add3A_42 = arith.constant 2 : i32
      %add3A_43 = arith.addi %mul3A_16, %add3A_42 : i32
      %mul3A_44 = arith.constant 128 : i32
      %mul3A_45 = arith.muli %add3A_43, %mul3A_44 : i32
      %dma_start3A_46 = arith.constant 2 : i32
      %dma_start3A_47 = arith.constant 0 : i32
      %dma_start3A_48 = arith.constant 0 : i32
      %dma_start3A_49 = tpu.memref_slice %arg10[%dma_start3A_46, %dma_start3A_47, %dma_start3A_48] : memref<5x128x128xf32, #tpu.memory_space<vmem>> -> memref<1x128x128xf32, #tpu.memory_space<vmem>>
      %dma_start3A_50 = tpu.memref_squeeze %dma_start3A_49 : memref<1x128x128xf32, #tpu.memory_space<vmem>> -> memref<128x128xf32, #tpu.memory_space<vmem>>
      %dma_start3A_51 = tpu.memref_slice %arg8[%mul3A_45] : memref<10240xi32, #tpu.memory_space<vmem>> -> memref<128xi32, #tpu.memory_space<vmem>>
      %dma_start3A_52 = arith.constant 0 : i32
      %dma_start3A_53 = arith.constant 0 : i32
      %dma_start3A_54 = tpu.memref_slice %arg2[%dma_start3A_52, %dma_start3A_53] : memref<10000x128xf32, #tpu.memory_space<hbm>> -> memref<10000x128xf32, #tpu.memory_space<hbm>>
      tpu.enqueue_indirect_dma source(%dma_start3A_54 : memref<10000x128xf32, #tpu.memory_space<hbm>>) target(%dma_start3A_50 : memref<128x128xf32, #tpu.memory_space<vmem>>) offsets(%dma_start3A_51 : memref<128xi32, #tpu.memory_space<vmem>>) semaphore(%arg11 : memref<!tpu.dma_semaphore, #tpu.memory_space<semaphore_mem>>)
      %add3A_55 = arith.constant 3 : i32
      %add3A_56 = arith.addi %mul3A_16, %add3A_55 : i32
      %mul3A_57 = arith.constant 128 : i32
      %mul3A_58 = arith.muli %add3A_56, %mul3A_57 : i32
      %dma_start3A_59 = arith.constant 3 : i32
      %dma_start3A_60 = arith.constant 0 : i32
      %dma_start3A_61 = arith.constant 0 : i32
      %dma_start3A_62 = tpu.memref_slice %arg10[%dma_start3A_59, %dma_start3A_60, %dma_start3A_61] : memref<5x128x128xf32, #tpu.memory_space<vmem>> -> memref<1x128x128xf32, #tpu.memory_space<vmem>>
      %dma_start3A_63 = tpu.memref_squeeze %dma_start3A_62 : memref<1x128x128xf32, #tpu.memory_space<vmem>> -> memref<128x128xf32, #tpu.memory_space<vmem>>
      %dma_start3A_64 = tpu.memref_slice %arg8[%mul3A_58] : memref<10240xi32, #tpu.memory_space<vmem>> -> memref<128xi32, #tpu.memory_space<vmem>>
      %dma_start3A_65 = arith.constant 0 : i32
      %dma_start3A_66 = arith.constant 0 : i32
      %dma_start3A_67 = tpu.memref_slice %arg2[%dma_start3A_65, %dma_start3A_66] : memref<10000x128xf32, #tpu.memory_space<hbm>> -> memref<10000x128xf32, #tpu.memory_space<hbm>>
      tpu.enqueue_indirect_dma source(%dma_start3A_67 : memref<10000x128xf32, #tpu.memory_space<hbm>>) target(%dma_start3A_63 : memref<128x128xf32, #tpu.memory_space<vmem>>) offsets(%dma_start3A_64 : memref<128xi32, #tpu.memory_space<vmem>>) semaphore(%arg11 : memref<!tpu.dma_semaphore, #tpu.memory_space<semaphore_mem>>)
      %add3A_68 = arith.constant 4 : i32
      %add3A_69 = arith.addi %mul3A_16, %add3A_68 : i32
      %mul3A_70 = arith.constant 128 : i32
      %mul3A_71 = arith.muli %add3A_69, %mul3A_70 : i32
      %dma_start3A_72 = arith.constant 4 : i32
      %dma_start3A_73 = arith.constant 0 : i32
      %dma_start3A_74 = arith.constant 0 : i32
      %dma_start3A_75 = tpu.memref_slice %arg10[%dma_start3A_72, %dma_start3A_73, %dma_start3A_74] : memref<5x128x128xf32, #tpu.memory_space<vmem>> -> memref<1x128x128xf32, #tpu.memory_space<vmem>>
      %dma_start3A_76 = tpu.memref_squeeze %dma_start3A_75 : memref<1x128x128xf32, #tpu.memory_space<vmem>> -> memref<128x128xf32, #tpu.memory_space<vmem>>
      %dma_start3A_77 = tpu.memref_slice %arg8[%mul3A_71] : memref<10240xi32, #tpu.memory_space<vmem>> -> memref<128xi32, #tpu.memory_space<vmem>>
      %dma_start3A_78 = arith.constant 0 : i32
      %dma_start3A_79 = arith.constant 0 : i32
      %dma_start3A_80 = tpu.memref_slice %arg2[%dma_start3A_78, %dma_start3A_79] : memref<10000x128xf32, #tpu.memory_space<hbm>> -> memref<10000x128xf32, #tpu.memory_space<hbm>>
      tpu.enqueue_indirect_dma source(%dma_start3A_80 : memref<10000x128xf32, #tpu.memory_space<hbm>>) target(%dma_start3A_76 : memref<128x128xf32, #tpu.memory_space<vmem>>) offsets(%dma_start3A_77 : memref<128xi32, #tpu.memory_space<vmem>>) semaphore(%arg11 : memref<!tpu.dma_semaphore, #tpu.memory_space<semaphore_mem>>)
      %dma_wait3A = arith.constant 0 : i32
      %dma_wait3A_81 = arith.constant 0 : i32
      %dma_wait3A_82 = arith.constant 0 : i32
      %dma_wait3A_83 = tpu.memref_slice %arg10[%dma_wait3A, %dma_wait3A_81, %dma_wait3A_82] : memref<5x128x128xf32, #tpu.memory_space<vmem>> -> memref<1x128x128xf32, #tpu.memory_space<vmem>>
      %dma_wait3A_84 = tpu.memref_squeeze %dma_wait3A_83 : memref<1x128x128xf32, #tpu.memory_space<vmem>> -> memref<128x128xf32, #tpu.memory_space<vmem>>
      %dma_wait3A_85 = tpu.memref_slice %arg8[%mul3A_20] : memref<10240xi32, #tpu.memory_space<vmem>> -> memref<128xi32, #tpu.memory_space<vmem>>
      %dma_wait3A_86 = arith.constant 0 : i32
      %dma_wait3A_87 = arith.constant 0 : i32
      %dma_wait3A_88 = tpu.memref_slice %arg2[%dma_wait3A_86, %dma_wait3A_87] : memref<10000x128xf32, #tpu.memory_space<hbm>> -> memref<10000x128xf32, #tpu.memory_space<hbm>>
      tpu.wait_indirect_dma semaphore(%arg11 : memref<!tpu.dma_semaphore, #tpu.memory_space<semaphore_mem>>) src(%dma_wait3A_88 : memref<10000x128xf32, #tpu.memory_space<hbm>>) dst(%dma_wait3A_84 : memref<128x128xf32, #tpu.memory_space<vmem>>)
      %dma_wait3A_89 = arith.constant 1 : i32
      %dma_wait3A_90 = arith.constant 0 : i32
      %dma_wait3A_91 = arith.constant 0 : i32
      %dma_wait3A_92 = tpu.memref_slice %arg10[%dma_wait3A_89, %dma_wait3A_90, %dma_wait3A_91] : memref<5x128x128xf32, #tpu.memory_space<vmem>> -> memref<1x128x128xf32, #tpu.memory_space<vmem>>
      %dma_wait3A_93 = tpu.memref_squeeze %dma_wait3A_92 : memref<1x128x128xf32, #tpu.memory_space<vmem>> -> memref<128x128xf32, #tpu.memory_space<vmem>>
      %dma_wait3A_94 = tpu.memref_slice %arg8[%mul3A_32] : memref<10240xi32, #tpu.memory_space<vmem>> -> memref<128xi32, #tpu.memory_space<vmem>>
      %dma_wait3A_95 = arith.constant 0 : i32
      %dma_wait3A_96 = arith.constant 0 : i32
      %dma_wait3A_97 = tpu.memref_slice %arg2[%dma_wait3A_95, %dma_wait3A_96] : memref<10000x128xf32, #tpu.memory_space<hbm>> -> memref<10000x128xf32, #tpu.memory_space<hbm>>
      tpu.wait_indirect_dma semaphore(%arg11 : memref<!tpu.dma_semaphore, #tpu.memory_space<semaphore_mem>>) src(%dma_wait3A_97 : memref<10000x128xf32, #tpu.memory_space<hbm>>) dst(%dma_wait3A_93 : memref<128x128xf32, #tpu.memory_space<vmem>>)
      %dma_wait3A_98 = arith.constant 2 : i32
      %dma_wait3A_99 = arith.constant 0 : i32
      %dma_wait3A_100 = arith.constant 0 : i32
      %dma_wait3A_101 = tpu.memref_slice %arg10[%dma_wait3A_98, %dma_wait3A_99, %dma_wait3A_100] : memref<5x128x128xf32, #tpu.memory_space<vmem>> -> memref<1x128x128xf32, #tpu.memory_space<vmem>>
      %dma_wait3A_102 = tpu.memref_squeeze %dma_wait3A_101 : memref<1x128x128xf32, #tpu.memory_space<vmem>> -> memref<128x128xf32, #tpu.memory_space<vmem>>
      %dma_wait3A_103 = tpu.memref_slice %arg8[%mul3A_45] : memref<10240xi32, #tpu.memory_space<vmem>> -> memref<128xi32, #tpu.memory_space<vmem>>
      %dma_wait3A_104 = arith.constant 0 : i32
      %dma_wait3A_105 = arith.constant 0 : i32
      %dma_wait3A_106 = tpu.memref_slice %arg2[%dma_wait3A_104, %dma_wait3A_105] : memref<10000x128xf32, #tpu.memory_space<hbm>> -> memref<10000x128xf32, #tpu.memory_space<hbm>>
      tpu.wait_indirect_dma semaphore(%arg11 : memref<!tpu.dma_semaphore, #tpu.memory_space<semaphore_mem>>) src(%dma_wait3A_106 : memref<10000x128xf32, #tpu.memory_space<hbm>>) dst(%dma_wait3A_102 : memref<128x128xf32, #tpu.memory_space<vmem>>)
      %dma_wait3A_107 = arith.constant 3 : i32
      %dma_wait3A_108 = arith.constant 0 : i32
      %dma_wait3A_109 = arith.constant 0 : i32
      %dma_wait3A_110 = tpu.memref_slice %arg10[%dma_wait3A_107, %dma_wait3A_108, %dma_wait3A_109] : memref<5x128x128xf32, #tpu.memory_space<vmem>> -> memref<1x128x128xf32, #tpu.memory_space<vmem>>
      %dma_wait3A_111 = tpu.memref_squeeze %dma_wait3A_110 : memref<1x128x128xf32, #tpu.memory_space<vmem>> -> memref<128x128xf32, #tpu.memory_space<vmem>>
      %dma_wait3A_112 = tpu.memref_slice %arg8[%mul3A_58] : memref<10240xi32, #tpu.memory_space<vmem>> -> memref<128xi32, #tpu.memory_space<vmem>>
      %dma_wait3A_113 = arith.constant 0 : i32
      %dma_wait3A_114 = arith.constant 0 : i32
      %dma_wait3A_115 = tpu.memref_slice %arg2[%dma_wait3A_113, %dma_wait3A_114] : memref<10000x128xf32, #tpu.memory_space<hbm>> -> memref<10000x128xf32, #tpu.memory_space<hbm>>
      tpu.wait_indirect_dma semaphore(%arg11 : memref<!tpu.dma_semaphore, #tpu.memory_space<semaphore_mem>>) src(%dma_wait3A_115 : memref<10000x128xf32, #tpu.memory_space<hbm>>) dst(%dma_wait3A_111 : memref<128x128xf32, #tpu.memory_space<vmem>>)
      %dma_wait3A_116 = arith.constant 4 : i32
      %dma_wait3A_117 = arith.constant 0 : i32
      %dma_wait3A_118 = arith.constant 0 : i32
      %dma_wait3A_119 = tpu.memref_slice %arg10[%dma_wait3A_116, %dma_wait3A_117, %dma_wait3A_118] : memref<5x128x128xf32, #tpu.memory_space<vmem>> -> memref<1x128x128xf32, #tpu.memory_space<vmem>>
      %dma_wait3A_120 = tpu.memref_squeeze %dma_wait3A_119 : memref<1x128x128xf32, #tpu.memory_space<vmem>> -> memref<128x128xf32, #tpu.memory_space<vmem>>
      %dma_wait3A_121 = tpu.memref_slice %arg8[%mul3A_71] : memref<10240xi32, #tpu.memory_space<vmem>> -> memref<128xi32, #tpu.memory_space<vmem>>
      %dma_wait3A_122 = arith.constant 0 : i32
      %dma_wait3A_123 = arith.constant 0 : i32
      %dma_wait3A_124 = tpu.memref_slice %arg2[%dma_wait3A_122, %dma_wait3A_123] : memref<10000x128xf32, #tpu.memory_space<hbm>> -> memref<10000x128xf32, #tpu.memory_space<hbm>>
      tpu.wait_indirect_dma semaphore(%arg11 : memref<!tpu.dma_semaphore, #tpu.memory_space<semaphore_mem>>) src(%dma_wait3A_124 : memref<10000x128xf32, #tpu.memory_space<hbm>>) dst(%dma_wait3A_120 : memref<128x128xf32, #tpu.memory_space<vmem>>)
      %add3A_125 = arith.constant 0 : i32
      %add3A_126 = arith.addi %mul3A_16, %add3A_125 : i32
      %mul3A_127 = arith.constant 128 : i32
      %mul3A_128 = arith.muli %add3A_126, %mul3A_127 : i32
      %add3A_129 = arith.addi %mul3A_2, %mul3A_128 : i32
      %dma_start3A_130 = arith.constant 0 : i32
      %dma_start3A_131 = arith.constant 0 : i32
      %dma_start3A_132 = arith.constant 0 : i32
      %dma_start3A_133 = tpu.memref_slice %arg10[%dma_start3A_130, %dma_start3A_131, %dma_start3A_132] : memref<5x128x128xf32, #tpu.memory_space<vmem>> -> memref<1x128x128xf32, #tpu.memory_space<vmem>>
      %dma_start3A_134 = tpu.memref_squeeze %dma_start3A_133 : memref<1x128x128xf32, #tpu.memory_space<vmem>> -> memref<128x128xf32, #tpu.memory_space<vmem>>
      %dma_start3A_135 = arith.constant 0 : i32
      %dma_start3A_136 = tpu.memref_slice %arg6[%add3A_129, %dma_start3A_135] : memref<327680x128xf32, #tpu.memory_space<hbm>> -> memref<128x128xf32, #tpu.memory_space<hbm>>
      %dma_start3A_137 = arith.constant 0 : i32
      %dma_start3A_138 = tpu.memref_slice %arg6[%add3A_129, %dma_start3A_137] : memref<327680x128xf32, #tpu.memory_space<hbm>> -> memref<128x128xf32, #tpu.memory_space<hbm>>
      %dma_start3A_139 = arith.constant 0 : i32
      %dma_start3A_140 = arith.constant 0 : i32
      %dma_start3A_141 = tpu.memref_slice %arg10[%dma_start3A_130, %dma_start3A_139, %dma_start3A_140] : memref<5x128x128xf32, #tpu.memory_space<vmem>> -> memref<1x128x128xf32, #tpu.memory_space<vmem>>
      %dma_start3A_142 = tpu.memref_squeeze %dma_start3A_141 : memref<1x128x128xf32, #tpu.memory_space<vmem>> -> memref<128x128xf32, #tpu.memory_space<vmem>>
      tpu.enqueue_dma source(%dma_start3A_142 : memref<128x128xf32, #tpu.memory_space<vmem>>) target(%dma_start3A_138 : memref<128x128xf32, #tpu.memory_space<hbm>>) target_semaphore(%arg12 : memref<!tpu.dma_semaphore, #tpu.memory_space<semaphore_mem>>)
      %add3A_143 = arith.constant 1 : i32
      %add3A_144 = arith.addi %mul3A_16, %add3A_143 : i32
      %mul3A_145 = arith.constant 128 : i32
      %mul3A_146 = arith.muli %add3A_144, %mul3A_145 : i32
      %add3A_147 = arith.addi %mul3A_2, %mul3A_146 : i32
      %dma_start3A_148 = arith.constant 1 : i32
      %dma_start3A_149 = arith.constant 0 : i32
      %dma_start3A_150 = arith.constant 0 : i32
      %dma_start3A_151 = tpu.memref_slice %arg10[%dma_start3A_148, %dma_start3A_149, %dma_start3A_150] : memref<5x128x128xf32, #tpu.memory_space<vmem>> -> memref<1x128x128xf32, #tpu.memory_space<vmem>>
      %dma_start3A_152 = tpu.memref_squeeze %dma_start3A_151 : memref<1x128x128xf32, #tpu.memory_space<vmem>> -> memref<128x128xf32, #tpu.memory_space<vmem>>
      %dma_start3A_153 = arith.constant 0 : i32
      %dma_start3A_154 = tpu.memref_slice %arg6[%add3A_147, %dma_start3A_153] : memref<327680x128xf32, #tpu.memory_space<hbm>> -> memref<128x128xf32, #tpu.memory_space<hbm>>
      %dma_start3A_155 = arith.constant 0 : i32
      %dma_start3A_156 = tpu.memref_slice %arg6[%add3A_147, %dma_start3A_155] : memref<327680x128xf32, #tpu.memory_space<hbm>> -> memref<128x128xf32, #tpu.memory_space<hbm>>
      %dma_start3A_157 = arith.constant 0 : i32
      %dma_start3A_158 = arith.constant 0 : i32
      %dma_start3A_159 = tpu.memref_slice %arg10[%dma_start3A_148, %dma_start3A_157, %dma_start3A_158] : memref<5x128x128xf32, #tpu.memory_space<vmem>> -> memref<1x128x128xf32, #tpu.memory_space<vmem>>
      %dma_start3A_160 = tpu.memref_squeeze %dma_start3A_159 : memref<1x128x128xf32, #tpu.memory_space<vmem>> -> memref<128x128xf32, #tpu.memory_space<vmem>>
      tpu.enqueue_dma source(%dma_start3A_160 : memref<128x128xf32, #tpu.memory_space<vmem>>) target(%dma_start3A_156 : memref<128x128xf32, #tpu.memory_space<hbm>>) target_semaphore(%arg12 : memref<!tpu.dma_semaphore, #tpu.memory_space<semaphore_mem>>)
      %add3A_161 = arith.constant 2 : i32
      %add3A_162 = arith.addi %mul3A_16, %add3A_161 : i32
      %mul3A_163 = arith.constant 128 : i32
      %mul3A_164 = arith.muli %add3A_162, %mul3A_163 : i32
      %add3A_165 = arith.addi %mul3A_2, %mul3A_164 : i32
      %dma_start3A_166 = arith.constant 2 : i32
      %dma_start3A_167 = arith.constant 0 : i32
      %dma_start3A_168 = arith.constant 0 : i32
      %dma_start3A_169 = tpu.memref_slice %arg10[%dma_start3A_166, %dma_start3A_167, %dma_start3A_168] : memref<5x128x128xf32, #tpu.memory_space<vmem>> -> memref<1x128x128xf32, #tpu.memory_space<vmem>>
      %dma_start3A_170 = tpu.memref_squeeze %dma_start3A_169 : memref<1x128x128xf32, #tpu.memory_space<vmem>> -> memref<128x128xf32, #tpu.memory_space<vmem>>
      %dma_start3A_171 = arith.constant 0 : i32
      %dma_start3A_172 = tpu.memref_slice %arg6[%add3A_165, %dma_start3A_171] : memref<327680x128xf32, #tpu.memory_space<hbm>> -> memref<128x128xf32, #tpu.memory_space<hbm>>
      %dma_start3A_173 = arith.constant 0 : i32
      %dma_start3A_174 = tpu.memref_slice %arg6[%add3A_165, %dma_start3A_173] : memref<327680x128xf32, #tpu.memory_space<hbm>> -> memref<128x128xf32, #tpu.memory_space<hbm>>
      %dma_start3A_175 = arith.constant 0 : i32
      %dma_start3A_176 = arith.constant 0 : i32
      %dma_start3A_177 = tpu.memref_slice %arg10[%dma_start3A_166, %dma_start3A_175, %dma_start3A_176] : memref<5x128x128xf32, #tpu.memory_space<vmem>> -> memref<1x128x128xf32, #tpu.memory_space<vmem>>
      %dma_start3A_178 = tpu.memref_squeeze %dma_start3A_177 : memref<1x128x128xf32, #tpu.memory_space<vmem>> -> memref<128x128xf32, #tpu.memory_space<vmem>>
      tpu.enqueue_dma source(%dma_start3A_178 : memref<128x128xf32, #tpu.memory_space<vmem>>) target(%dma_start3A_174 : memref<128x128xf32, #tpu.memory_space<hbm>>) target_semaphore(%arg12 : memref<!tpu.dma_semaphore, #tpu.memory_space<semaphore_mem>>)
      %add3A_179 = arith.constant 3 : i32
      %add3A_180 = arith.addi %mul3A_16, %add3A_179 : i32
      %mul3A_181 = arith.constant 128 : i32
      %mul3A_182 = arith.muli %add3A_180, %mul3A_181 : i32
      %add3A_183 = arith.addi %mul3A_2, %mul3A_182 : i32
      %dma_start3A_184 = arith.constant 3 : i32
      %dma_start3A_185 = arith.constant 0 : i32
      %dma_start3A_186 = arith.constant 0 : i32
      %dma_start3A_187 = tpu.memref_slice %arg10[%dma_start3A_184, %dma_start3A_185, %dma_start3A_186] : memref<5x128x128xf32, #tpu.memory_space<vmem>> -> memref<1x128x128xf32, #tpu.memory_space<vmem>>
      %dma_start3A_188 = tpu.memref_squeeze %dma_start3A_187 : memref<1x128x128xf32, #tpu.memory_space<vmem>> -> memref<128x128xf32, #tpu.memory_space<vmem>>
      %dma_start3A_189 = arith.constant 0 : i32
      %dma_start3A_190 = tpu.memref_slice %arg6[%add3A_183, %dma_start3A_189] : memref<327680x128xf32, #tpu.memory_space<hbm>> -> memref<128x128xf32, #tpu.memory_space<hbm>>
      %dma_start3A_191 = arith.constant 0 : i32
      %dma_start3A_192 = tpu.memref_slice %arg6[%add3A_183, %dma_start3A_191] : memref<327680x128xf32, #tpu.memory_space<hbm>> -> memref<128x128xf32, #tpu.memory_space<hbm>>
      %dma_start3A_193 = arith.constant 0 : i32
      %dma_start3A_194 = arith.constant 0 : i32
      %dma_start3A_195 = tpu.memref_slice %arg10[%dma_start3A_184, %dma_start3A_193, %dma_start3A_194] : memref<5x128x128xf32, #tpu.memory_space<vmem>> -> memref<1x128x128xf32, #tpu.memory_space<vmem>>
      %dma_start3A_196 = tpu.memref_squeeze %dma_start3A_195 : memref<1x128x128xf32, #tpu.memory_space<vmem>> -> memref<128x128xf32, #tpu.memory_space<vmem>>
      tpu.enqueue_dma source(%dma_start3A_196 : memref<128x128xf32, #tpu.memory_space<vmem>>) target(%dma_start3A_192 : memref<128x128xf32, #tpu.memory_space<hbm>>) target_semaphore(%arg12 : memref<!tpu.dma_semaphore, #tpu.memory_space<semaphore_mem>>)
      %add3A_197 = arith.constant 4 : i32
      %add3A_198 = arith.addi %mul3A_16, %add3A_197 : i32
      %mul3A_199 = arith.constant 128 : i32
      %mul3A_200 = arith.muli %add3A_198, %mul3A_199 : i32
      %add3A_201 = arith.addi %mul3A_2, %mul3A_200 : i32
      %dma_start3A_202 = arith.constant 4 : i32
      %dma_start3A_203 = arith.constant 0 : i32
      %dma_start3A_204 = arith.constant 0 : i32
      %dma_start3A_205 = tpu.memref_slice %arg10[%dma_start3A_202, %dma_start3A_203, %dma_start3A_204] : memref<5x128x128xf32, #tpu.memory_space<vmem>> -> memref<1x128x128xf32, #tpu.memory_space<vmem>>
      %dma_start3A_206 = tpu.memref_squeeze %dma_start3A_205 : memref<1x128x128xf32, #tpu.memory_space<vmem>> -> memref<128x128xf32, #tpu.memory_space<vmem>>
      %dma_start3A_207 = arith.constant 0 : i32
      %dma_start3A_208 = tpu.memref_slice %arg6[%add3A_201, %dma_start3A_207] : memref<327680x128xf32, #tpu.memory_space<hbm>> -> memref<128x128xf32, #tpu.memory_space<hbm>>
      %dma_start3A_209 = arith.constant 0 : i32
      %dma_start3A_210 = tpu.memref_slice %arg6[%add3A_201, %dma_start3A_209] : memref<327680x128xf32, #tpu.memory_space<hbm>> -> memref<128x128xf32, #tpu.memory_space<hbm>>
      %dma_start3A_211 = arith.constant 0 : i32
      %dma_start3A_212 = arith.constant 0 : i32
      %dma_start3A_213 = tpu.memref_slice %arg10[%dma_start3A_202, %dma_start3A_211, %dma_start3A_212] : memref<5x128x128xf32, #tpu.memory_space<vmem>> -> memref<1x128x128xf32, #tpu.memory_space<vmem>>
      %dma_start3A_214 = tpu.memref_squeeze %dma_start3A_213 : memref<1x128x128xf32, #tpu.memory_space<vmem>> -> memref<128x128xf32, #tpu.memory_space<vmem>>
      tpu.enqueue_dma source(%dma_start3A_214 : memref<128x128xf32, #tpu.memory_space<vmem>>) target(%dma_start3A_210 : memref<128x128xf32, #tpu.memory_space<hbm>>) target_semaphore(%arg12 : memref<!tpu.dma_semaphore, #tpu.memory_space<semaphore_mem>>)
      %dma_wait3A_215 = arith.constant 0 : i32
      %dma_wait3A_216 = arith.constant 0 : i32
      %dma_wait3A_217 = arith.constant 0 : i32
      %dma_wait3A_218 = tpu.memref_slice %arg10[%dma_wait3A_215, %dma_wait3A_216, %dma_wait3A_217] : memref<5x128x128xf32, #tpu.memory_space<vmem>> -> memref<1x128x128xf32, #tpu.memory_space<vmem>>
      %dma_wait3A_219 = tpu.memref_squeeze %dma_wait3A_218 : memref<1x128x128xf32, #tpu.memory_space<vmem>> -> memref<128x128xf32, #tpu.memory_space<vmem>>
      %dma_wait3A_220 = arith.constant 0 : i32
      %dma_wait3A_221 = tpu.memref_slice %arg6[%add3A_129, %dma_wait3A_220] : memref<327680x128xf32, #tpu.memory_space<hbm>> -> memref<128x128xf32, #tpu.memory_space<hbm>>
      %dma_wait3A_222 = arith.constant 0 : i32
      %dma_wait3A_223 = tpu.memref_slice %arg6[%add3A_129, %dma_wait3A_222] : memref<327680x128xf32, #tpu.memory_space<hbm>> -> memref<128x128xf32, #tpu.memory_space<hbm>>
      %dma_wait3A_224 = arith.constant 0 : i32
      %dma_wait3A_225 = arith.constant 0 : i32
      %dma_wait3A_226 = tpu.memref_slice %arg10[%dma_wait3A_215, %dma_wait3A_224, %dma_wait3A_225] : memref<5x128x128xf32, #tpu.memory_space<vmem>> -> memref<1x128x128xf32, #tpu.memory_space<vmem>>
      %dma_wait3A_227 = tpu.memref_squeeze %dma_wait3A_226 : memref<1x128x128xf32, #tpu.memory_space<vmem>> -> memref<128x128xf32, #tpu.memory_space<vmem>>
      tpu.wait_dma2 semaphore(%arg12 : memref<!tpu.dma_semaphore, #tpu.memory_space<semaphore_mem>>) src(%dma_wait3A_227 : memref<128x128xf32, #tpu.memory_space<vmem>>) dst(%dma_wait3A_223 : memref<128x128xf32, #tpu.memory_space<hbm>>)
      %dma_wait3A_228 = arith.constant 1 : i32
      %dma_wait3A_229 = arith.constant 0 : i32
      %dma_wait3A_230 = arith.constant 0 : i32
      %dma_wait3A_231 = tpu.memref_slice %arg10[%dma_wait3A_228, %dma_wait3A_229, %dma_wait3A_230] : memref<5x128x128xf32, #tpu.memory_space<vmem>> -> memref<1x128x128xf32, #tpu.memory_space<vmem>>
      %dma_wait3A_232 = tpu.memref_squeeze %dma_wait3A_231 : memref<1x128x128xf32, #tpu.memory_space<vmem>> -> memref<128x128xf32, #tpu.memory_space<vmem>>
      %dma_wait3A_233 = arith.constant 0 : i32
      %dma_wait3A_234 = tpu.memref_slice %arg6[%add3A_147, %dma_wait3A_233] : memref<327680x128xf32, #tpu.memory_space<hbm>> -> memref<128x128xf32, #tpu.memory_space<hbm>>
      %dma_wait3A_235 = arith.constant 0 : i32
      %dma_wait3A_236 = tpu.memref_slice %arg6[%add3A_147, %dma_wait3A_235] : memref<327680x128xf32, #tpu.memory_space<hbm>> -> memref<128x128xf32, #tpu.memory_space<hbm>>
      %dma_wait3A_237 = arith.constant 0 : i32
      %dma_wait3A_238 = arith.constant 0 : i32
      %dma_wait3A_239 = tpu.memref_slice %arg10[%dma_wait3A_228, %dma_wait3A_237, %dma_wait3A_238] : memref<5x128x128xf32, #tpu.memory_space<vmem>> -> memref<1x128x128xf32, #tpu.memory_space<vmem>>
      %dma_wait3A_240 = tpu.memref_squeeze %dma_wait3A_239 : memref<1x128x128xf32, #tpu.memory_space<vmem>> -> memref<128x128xf32, #tpu.memory_space<vmem>>
      tpu.wait_dma2 semaphore(%arg12 : memref<!tpu.dma_semaphore, #tpu.memory_space<semaphore_mem>>) src(%dma_wait3A_240 : memref<128x128xf32, #tpu.memory_space<vmem>>) dst(%dma_wait3A_236 : memref<128x128xf32, #tpu.memory_space<hbm>>)
      %dma_wait3A_241 = arith.constant 2 : i32
      %dma_wait3A_242 = arith.constant 0 : i32
      %dma_wait3A_243 = arith.constant 0 : i32
      %dma_wait3A_244 = tpu.memref_slice %arg10[%dma_wait3A_241, %dma_wait3A_242, %dma_wait3A_243] : memref<5x128x128xf32, #tpu.memory_space<vmem>> -> memref<1x128x128xf32, #tpu.memory_space<vmem>>
      %dma_wait3A_245 = tpu.memref_squeeze %dma_wait3A_244 : memref<1x128x128xf32, #tpu.memory_space<vmem>> -> memref<128x128xf32, #tpu.memory_space<vmem>>
      %dma_wait3A_246 = arith.constant 0 : i32
      %dma_wait3A_247 = tpu.memref_slice %arg6[%add3A_165, %dma_wait3A_246] : memref<327680x128xf32, #tpu.memory_space<hbm>> -> memref<128x128xf32, #tpu.memory_space<hbm>>
      %dma_wait3A_248 = arith.constant 0 : i32
      %dma_wait3A_249 = tpu.memref_slice %arg6[%add3A_165, %dma_wait3A_248] : memref<327680x128xf32, #tpu.memory_space<hbm>> -> memref<128x128xf32, #tpu.memory_space<hbm>>
      %dma_wait3A_250 = arith.constant 0 : i32
      %dma_wait3A_251 = arith.constant 0 : i32
      %dma_wait3A_252 = tpu.memref_slice %arg10[%dma_wait3A_241, %dma_wait3A_250, %dma_wait3A_251] : memref<5x128x128xf32, #tpu.memory_space<vmem>> -> memref<1x128x128xf32, #tpu.memory_space<vmem>>
      %dma_wait3A_253 = tpu.memref_squeeze %dma_wait3A_252 : memref<1x128x128xf32, #tpu.memory_space<vmem>> -> memref<128x128xf32, #tpu.memory_space<vmem>>
      tpu.wait_dma2 semaphore(%arg12 : memref<!tpu.dma_semaphore, #tpu.memory_space<semaphore_mem>>) src(%dma_wait3A_253 : memref<128x128xf32, #tpu.memory_space<vmem>>) dst(%dma_wait3A_249 : memref<128x128xf32, #tpu.memory_space<hbm>>)
      %dma_wait3A_254 = arith.constant 3 : i32
      %dma_wait3A_255 = arith.constant 0 : i32
      %dma_wait3A_256 = arith.constant 0 : i32
      %dma_wait3A_257 = tpu.memref_slice %arg10[%dma_wait3A_254, %dma_wait3A_255, %dma_wait3A_256] : memref<5x128x128xf32, #tpu.memory_space<vmem>> -> memref<1x128x128xf32, #tpu.memory_space<vmem>>
      %dma_wait3A_258 = tpu.memref_squeeze %dma_wait3A_257 : memref<1x128x128xf32, #tpu.memory_space<vmem>> -> memref<128x128xf32, #tpu.memory_space<vmem>>
      %dma_wait3A_259 = arith.constant 0 : i32
      %dma_wait3A_260 = tpu.memref_slice %arg6[%add3A_183, %dma_wait3A_259] : memref<327680x128xf32, #tpu.memory_space<hbm>> -> memref<128x128xf32, #tpu.memory_space<hbm>>
      %dma_wait3A_261 = arith.constant 0 : i32
      %dma_wait3A_262 = tpu.memref_slice %arg6[%add3A_183, %dma_wait3A_261] : memref<327680x128xf32, #tpu.memory_space<hbm>> -> memref<128x128xf32, #tpu.memory_space<hbm>>
      %dma_wait3A_263 = arith.constant 0 : i32
      %dma_wait3A_264 = arith.constant 0 : i32
      %dma_wait3A_265 = tpu.memref_slice %arg10[%dma_wait3A_254, %dma_wait3A_263, %dma_wait3A_264] : memref<5x128x128xf32, #tpu.memory_space<vmem>> -> memref<1x128x128xf32, #tpu.memory_space<vmem>>
      %dma_wait3A_266 = tpu.memref_squeeze %dma_wait3A_265 : memref<1x128x128xf32, #tpu.memory_space<vmem>> -> memref<128x128xf32, #tpu.memory_space<vmem>>
      tpu.wait_dma2 semaphore(%arg12 : memref<!tpu.dma_semaphore, #tpu.memory_space<semaphore_mem>>) src(%dma_wait3A_266 : memref<128x128xf32, #tpu.memory_space<vmem>>) dst(%dma_wait3A_262 : memref<128x128xf32, #tpu.memory_space<hbm>>)
      %dma_wait3A_267 = arith.constant 4 : i32
      %dma_wait3A_268 = arith.constant 0 : i32
      %dma_wait3A_269 = arith.constant 0 : i32
      %dma_wait3A_270 = tpu.memref_slice %arg10[%dma_wait3A_267, %dma_wait3A_268, %dma_wait3A_269] : memref<5x128x128xf32, #tpu.memory_space<vmem>> -> memref<1x128x128xf32, #tpu.memory_space<vmem>>
      %dma_wait3A_271 = tpu.memref_squeeze %dma_wait3A_270 : memref<1x128x128xf32, #tpu.memory_space<vmem>> -> memref<128x128xf32, #tpu.memory_space<vmem>>
      %dma_wait3A_272 = arith.constant 0 : i32
      %dma_wait3A_273 = tpu.memref_slice %arg6[%add3A_201, %dma_wait3A_272] : memref<327680x128xf32, #tpu.memory_space<hbm>> -> memref<128x128xf32, #tpu.memory_space<hbm>>
      %dma_wait3A_274 = arith.constant 0 : i32
      %dma_wait3A_275 = tpu.memref_slice %arg6[%add3A_201, %dma_wait3A_274] : memref<327680x128xf32, #tpu.memory_space<hbm>> -> memref<128x128xf32, #tpu.memory_space<hbm>>
      %dma_wait3A_276 = arith.constant 0 : i32
      %dma_wait3A_277 = arith.constant 0 : i32
      %dma_wait3A_278 = tpu.memref_slice %arg10[%dma_wait3A_267, %dma_wait3A_276, %dma_wait3A_277] : memref<5x128x128xf32, #tpu.memory_space<vmem>> -> memref<1x128x128xf32, #tpu.memory_space<vmem>>
      %dma_wait3A_279 = tpu.memref_squeeze %dma_wait3A_278 : memref<1x128x128xf32, #tpu.memory_space<vmem>> -> memref<128x128xf32, #tpu.memory_space<vmem>>
      tpu.wait_dma2 semaphore(%arg12 : memref<!tpu.dma_semaphore, #tpu.memory_space<semaphore_mem>>) src(%dma_wait3A_279 : memref<128x128xf32, #tpu.memory_space<vmem>>) dst(%dma_wait3A_275 : memref<128x128xf32, #tpu.memory_space<hbm>>)
    }
    %scan3A_7 = arith.constant 16 : i32
    %scan3A_8 = arith.constant 0 : i32
    %scan3A_9 = arith.constant 0 : i32
    %scan3A_10 = arith.constant 16 : i32
    %scan3A_11 = arith.addi %scan3A_9, %scan3A_10 : i32
    %scan3A_12 = arith.constant 1 : i32
    scf.for %scan3A_14 = %scan3A_9 to %scan3A_11 step %scan3A_12  : i32 {
      %mul3A_15 = arith.constant 5 : i32
      %mul3A_16 = arith.muli %scan3A_14, %mul3A_15 : i32
      %add3A_17 = arith.constant 0 : i32
      %add3A_18 = arith.addi %mul3A_16, %add3A_17 : i32
      %mul3A_19 = arith.constant 128 : i32
      %mul3A_20 = arith.muli %add3A_18, %mul3A_19 : i32
      %dma_start3A = arith.constant 0 : i32
      %dma_start3A_21 = arith.constant 0 : i32
      %dma_start3A_22 = arith.constant 0 : i32
      %dma_start3A_23 = tpu.memref_slice %arg10[%dma_start3A, %dma_start3A_21, %dma_start3A_22] : memref<5x128x128xf32, #tpu.memory_space<vmem>> -> memref<1x128x128xf32, #tpu.memory_space<vmem>>
      %dma_start3A_24 = tpu.memref_squeeze %dma_start3A_23 : memref<1x128x128xf32, #tpu.memory_space<vmem>> -> memref<128x128xf32, #tpu.memory_space<vmem>>
      %dma_start3A_25 = tpu.memref_slice %arg9[%mul3A_20] : memref<10240xi32, #tpu.memory_space<vmem>> -> memref<128xi32, #tpu.memory_space<vmem>>
      %dma_start3A_26 = arith.constant 0 : i32
      %dma_start3A_27 = arith.constant 0 : i32
      %dma_start3A_28 = tpu.memref_slice %arg3[%dma_start3A_26, %dma_start3A_27] : memref<10000x128xf32, #tpu.memory_space<hbm>> -> memref<10000x128xf32, #tpu.memory_space<hbm>>
      tpu.enqueue_indirect_dma source(%dma_start3A_28 : memref<10000x128xf32, #tpu.memory_space<hbm>>) target(%dma_start3A_24 : memref<128x128xf32, #tpu.memory_space<vmem>>) offsets(%dma_start3A_25 : memref<128xi32, #tpu.memory_space<vmem>>) semaphore(%arg11 : memref<!tpu.dma_semaphore, #tpu.memory_space<semaphore_mem>>)
      %add3A_29 = arith.constant 1 : i32
      %add3A_30 = arith.addi %mul3A_16, %add3A_29 : i32
      %mul3A_31 = arith.constant 128 : i32
      %mul3A_32 = arith.muli %add3A_30, %mul3A_31 : i32
      %dma_start3A_33 = arith.constant 1 : i32
      %dma_start3A_34 = arith.constant 0 : i32
      %dma_start3A_35 = arith.constant 0 : i32
      %dma_start3A_36 = tpu.memref_slice %arg10[%dma_start3A_33, %dma_start3A_34, %dma_start3A_35] : memref<5x128x128xf32, #tpu.memory_space<vmem>> -> memref<1x128x128xf32, #tpu.memory_space<vmem>>
      %dma_start3A_37 = tpu.memref_squeeze %dma_start3A_36 : memref<1x128x128xf32, #tpu.memory_space<vmem>> -> memref<128x128xf32, #tpu.memory_space<vmem>>
      %dma_start3A_38 = tpu.memref_slice %arg9[%mul3A_32] : memref<10240xi32, #tpu.memory_space<vmem>> -> memref<128xi32, #tpu.memory_space<vmem>>
      %dma_start3A_39 = arith.constant 0 : i32
      %dma_start3A_40 = arith.constant 0 : i32
      %dma_start3A_41 = tpu.memref_slice %arg3[%dma_start3A_39, %dma_start3A_40] : memref<10000x128xf32, #tpu.memory_space<hbm>> -> memref<10000x128xf32, #tpu.memory_space<hbm>>
      tpu.enqueue_indirect_dma source(%dma_start3A_41 : memref<10000x128xf32, #tpu.memory_space<hbm>>) target(%dma_start3A_37 : memref<128x128xf32, #tpu.memory_space<vmem>>) offsets(%dma_start3A_38 : memref<128xi32, #tpu.memory_space<vmem>>) semaphore(%arg11 : memref<!tpu.dma_semaphore, #tpu.memory_space<semaphore_mem>>)
      %add3A_42 = arith.constant 2 : i32
      %add3A_43 = arith.addi %mul3A_16, %add3A_42 : i32
      %mul3A_44 = arith.constant 128 : i32
      %mul3A_45 = arith.muli %add3A_43, %mul3A_44 : i32
      %dma_start3A_46 = arith.constant 2 : i32
      %dma_start3A_47 = arith.constant 0 : i32
      %dma_start3A_48 = arith.constant 0 : i32
      %dma_start3A_49 = tpu.memref_slice %arg10[%dma_start3A_46, %dma_start3A_47, %dma_start3A_48] : memref<5x128x128xf32, #tpu.memory_space<vmem>> -> memref<1x128x128xf32, #tpu.memory_space<vmem>>
      %dma_start3A_50 = tpu.memref_squeeze %dma_start3A_49 : memref<1x128x128xf32, #tpu.memory_space<vmem>> -> memref<128x128xf32, #tpu.memory_space<vmem>>
      %dma_start3A_51 = tpu.memref_slice %arg9[%mul3A_45] : memref<10240xi32, #tpu.memory_space<vmem>> -> memref<128xi32, #tpu.memory_space<vmem>>
      %dma_start3A_52 = arith.constant 0 : i32
      %dma_start3A_53 = arith.constant 0 : i32
      %dma_start3A_54 = tpu.memref_slice %arg3[%dma_start3A_52, %dma_start3A_53] : memref<10000x128xf32, #tpu.memory_space<hbm>> -> memref<10000x128xf32, #tpu.memory_space<hbm>>
      tpu.enqueue_indirect_dma source(%dma_start3A_54 : memref<10000x128xf32, #tpu.memory_space<hbm>>) target(%dma_start3A_50 : memref<128x128xf32, #tpu.memory_space<vmem>>) offsets(%dma_start3A_51 : memref<128xi32, #tpu.memory_space<vmem>>) semaphore(%arg11 : memref<!tpu.dma_semaphore, #tpu.memory_space<semaphore_mem>>)
      %add3A_55 = arith.constant 3 : i32
      %add3A_56 = arith.addi %mul3A_16, %add3A_55 : i32
      %mul3A_57 = arith.constant 128 : i32
      %mul3A_58 = arith.muli %add3A_56, %mul3A_57 : i32
      %dma_start3A_59 = arith.constant 3 : i32
      %dma_start3A_60 = arith.constant 0 : i32
      %dma_start3A_61 = arith.constant 0 : i32
      %dma_start3A_62 = tpu.memref_slice %arg10[%dma_start3A_59, %dma_start3A_60, %dma_start3A_61] : memref<5x128x128xf32, #tpu.memory_space<vmem>> -> memref<1x128x128xf32, #tpu.memory_space<vmem>>
      %dma_start3A_63 = tpu.memref_squeeze %dma_start3A_62 : memref<1x128x128xf32, #tpu.memory_space<vmem>> -> memref<128x128xf32, #tpu.memory_space<vmem>>
      %dma_start3A_64 = tpu.memref_slice %arg9[%mul3A_58] : memref<10240xi32, #tpu.memory_space<vmem>> -> memref<128xi32, #tpu.memory_space<vmem>>
      %dma_start3A_65 = arith.constant 0 : i32
      %dma_start3A_66 = arith.constant 0 : i32
      %dma_start3A_67 = tpu.memref_slice %arg3[%dma_start3A_65, %dma_start3A_66] : memref<10000x128xf32, #tpu.memory_space<hbm>> -> memref<10000x128xf32, #tpu.memory_space<hbm>>
      tpu.enqueue_indirect_dma source(%dma_start3A_67 : memref<10000x128xf32, #tpu.memory_space<hbm>>) target(%dma_start3A_63 : memref<128x128xf32, #tpu.memory_space<vmem>>) offsets(%dma_start3A_64 : memref<128xi32, #tpu.memory_space<vmem>>) semaphore(%arg11 : memref<!tpu.dma_semaphore, #tpu.memory_space<semaphore_mem>>)
      %add3A_68 = arith.constant 4 : i32
      %add3A_69 = arith.addi %mul3A_16, %add3A_68 : i32
      %mul3A_70 = arith.constant 128 : i32
      %mul3A_71 = arith.muli %add3A_69, %mul3A_70 : i32
      %dma_start3A_72 = arith.constant 4 : i32
      %dma_start3A_73 = arith.constant 0 : i32
      %dma_start3A_74 = arith.constant 0 : i32
      %dma_start3A_75 = tpu.memref_slice %arg10[%dma_start3A_72, %dma_start3A_73, %dma_start3A_74] : memref<5x128x128xf32, #tpu.memory_space<vmem>> -> memref<1x128x128xf32, #tpu.memory_space<vmem>>
      %dma_start3A_76 = tpu.memref_squeeze %dma_start3A_75 : memref<1x128x128xf32, #tpu.memory_space<vmem>> -> memref<128x128xf32, #tpu.memory_space<vmem>>
      %dma_start3A_77 = tpu.memref_slice %arg9[%mul3A_71] : memref<10240xi32, #tpu.memory_space<vmem>> -> memref<128xi32, #tpu.memory_space<vmem>>
      %dma_start3A_78 = arith.constant 0 : i32
      %dma_start3A_79 = arith.constant 0 : i32
      %dma_start3A_80 = tpu.memref_slice %arg3[%dma_start3A_78, %dma_start3A_79] : memref<10000x128xf32, #tpu.memory_space<hbm>> -> memref<10000x128xf32, #tpu.memory_space<hbm>>
      tpu.enqueue_indirect_dma source(%dma_start3A_80 : memref<10000x128xf32, #tpu.memory_space<hbm>>) target(%dma_start3A_76 : memref<128x128xf32, #tpu.memory_space<vmem>>) offsets(%dma_start3A_77 : memref<128xi32, #tpu.memory_space<vmem>>) semaphore(%arg11 : memref<!tpu.dma_semaphore, #tpu.memory_space<semaphore_mem>>)
      %dma_wait3A = arith.constant 0 : i32
      %dma_wait3A_81 = arith.constant 0 : i32
      %dma_wait3A_82 = arith.constant 0 : i32
      %dma_wait3A_83 = tpu.memref_slice %arg10[%dma_wait3A, %dma_wait3A_81, %dma_wait3A_82] : memref<5x128x128xf32, #tpu.memory_space<vmem>> -> memref<1x128x128xf32, #tpu.memory_space<vmem>>
      %dma_wait3A_84 = tpu.memref_squeeze %dma_wait3A_83 : memref<1x128x128xf32, #tpu.memory_space<vmem>> -> memref<128x128xf32, #tpu.memory_space<vmem>>
      %dma_wait3A_85 = tpu.memref_slice %arg9[%mul3A_20] : memref<10240xi32, #tpu.memory_space<vmem>> -> memref<128xi32, #tpu.memory_space<vmem>>
      %dma_wait3A_86 = arith.constant 0 : i32
      %dma_wait3A_87 = arith.constant 0 : i32
      %dma_wait3A_88 = tpu.memref_slice %arg3[%dma_wait3A_86, %dma_wait3A_87] : memref<10000x128xf32, #tpu.memory_space<hbm>> -> memref<10000x128xf32, #tpu.memory_space<hbm>>
      tpu.wait_indirect_dma semaphore(%arg11 : memref<!tpu.dma_semaphore, #tpu.memory_space<semaphore_mem>>) src(%dma_wait3A_88 : memref<10000x128xf32, #tpu.memory_space<hbm>>) dst(%dma_wait3A_84 : memref<128x128xf32, #tpu.memory_space<vmem>>)
      %dma_wait3A_89 = arith.constant 1 : i32
      %dma_wait3A_90 = arith.constant 0 : i32
      %dma_wait3A_91 = arith.constant 0 : i32
      %dma_wait3A_92 = tpu.memref_slice %arg10[%dma_wait3A_89, %dma_wait3A_90, %dma_wait3A_91] : memref<5x128x128xf32, #tpu.memory_space<vmem>> -> memref<1x128x128xf32, #tpu.memory_space<vmem>>
      %dma_wait3A_93 = tpu.memref_squeeze %dma_wait3A_92 : memref<1x128x128xf32, #tpu.memory_space<vmem>> -> memref<128x128xf32, #tpu.memory_space<vmem>>
      %dma_wait3A_94 = tpu.memref_slice %arg9[%mul3A_32] : memref<10240xi32, #tpu.memory_space<vmem>> -> memref<128xi32, #tpu.memory_space<vmem>>
      %dma_wait3A_95 = arith.constant 0 : i32
      %dma_wait3A_96 = arith.constant 0 : i32
      %dma_wait3A_97 = tpu.memref_slice %arg3[%dma_wait3A_95, %dma_wait3A_96] : memref<10000x128xf32, #tpu.memory_space<hbm>> -> memref<10000x128xf32, #tpu.memory_space<hbm>>
      tpu.wait_indirect_dma semaphore(%arg11 : memref<!tpu.dma_semaphore, #tpu.memory_space<semaphore_mem>>) src(%dma_wait3A_97 : memref<10000x128xf32, #tpu.memory_space<hbm>>) dst(%dma_wait3A_93 : memref<128x128xf32, #tpu.memory_space<vmem>>)
      %dma_wait3A_98 = arith.constant 2 : i32
      %dma_wait3A_99 = arith.constant 0 : i32
      %dma_wait3A_100 = arith.constant 0 : i32
      %dma_wait3A_101 = tpu.memref_slice %arg10[%dma_wait3A_98, %dma_wait3A_99, %dma_wait3A_100] : memref<5x128x128xf32, #tpu.memory_space<vmem>> -> memref<1x128x128xf32, #tpu.memory_space<vmem>>
      %dma_wait3A_102 = tpu.memref_squeeze %dma_wait3A_101 : memref<1x128x128xf32, #tpu.memory_space<vmem>> -> memref<128x128xf32, #tpu.memory_space<vmem>>
      %dma_wait3A_103 = tpu.memref_slice %arg9[%mul3A_45] : memref<10240xi32, #tpu.memory_space<vmem>> -> memref<128xi32, #tpu.memory_space<vmem>>
      %dma_wait3A_104 = arith.constant 0 : i32
      %dma_wait3A_105 = arith.constant 0 : i32
      %dma_wait3A_106 = tpu.memref_slice %arg3[%dma_wait3A_104, %dma_wait3A_105] : memref<10000x128xf32, #tpu.memory_space<hbm>> -> memref<10000x128xf32, #tpu.memory_space<hbm>>
      tpu.wait_indirect_dma semaphore(%arg11 : memref<!tpu.dma_semaphore, #tpu.memory_space<semaphore_mem>>) src(%dma_wait3A_106 : memref<10000x128xf32, #tpu.memory_space<hbm>>) dst(%dma_wait3A_102 : memref<128x128xf32, #tpu.memory_space<vmem>>)
      %dma_wait3A_107 = arith.constant 3 : i32
      %dma_wait3A_108 = arith.constant 0 : i32
      %dma_wait3A_109 = arith.constant 0 : i32
      %dma_wait3A_110 = tpu.memref_slice %arg10[%dma_wait3A_107, %dma_wait3A_108, %dma_wait3A_109] : memref<5x128x128xf32, #tpu.memory_space<vmem>> -> memref<1x128x128xf32, #tpu.memory_space<vmem>>
      %dma_wait3A_111 = tpu.memref_squeeze %dma_wait3A_110 : memref<1x128x128xf32, #tpu.memory_space<vmem>> -> memref<128x128xf32, #tpu.memory_space<vmem>>
      %dma_wait3A_112 = tpu.memref_slice %arg9[%mul3A_58] : memref<10240xi32, #tpu.memory_space<vmem>> -> memref<128xi32, #tpu.memory_space<vmem>>
      %dma_wait3A_113 = arith.constant 0 : i32
      %dma_wait3A_114 = arith.constant 0 : i32
      %dma_wait3A_115 = tpu.memref_slice %arg3[%dma_wait3A_113, %dma_wait3A_114] : memref<10000x128xf32, #tpu.memory_space<hbm>> -> memref<10000x128xf32, #tpu.memory_space<hbm>>
      tpu.wait_indirect_dma semaphore(%arg11 : memref<!tpu.dma_semaphore, #tpu.memory_space<semaphore_mem>>) src(%dma_wait3A_115 : memref<10000x128xf32, #tpu.memory_space<hbm>>) dst(%dma_wait3A_111 : memref<128x128xf32, #tpu.memory_space<vmem>>)
      %dma_wait3A_116 = arith.constant 4 : i32
      %dma_wait3A_117 = arith.constant 0 : i32
      %dma_wait3A_118 = arith.constant 0 : i32
      %dma_wait3A_119 = tpu.memref_slice %arg10[%dma_wait3A_116, %dma_wait3A_117, %dma_wait3A_118] : memref<5x128x128xf32, #tpu.memory_space<vmem>> -> memref<1x128x128xf32, #tpu.memory_space<vmem>>
      %dma_wait3A_120 = tpu.memref_squeeze %dma_wait3A_119 : memref<1x128x128xf32, #tpu.memory_space<vmem>> -> memref<128x128xf32, #tpu.memory_space<vmem>>
      %dma_wait3A_121 = tpu.memref_slice %arg9[%mul3A_71] : memref<10240xi32, #tpu.memory_space<vmem>> -> memref<128xi32, #tpu.memory_space<vmem>>
      %dma_wait3A_122 = arith.constant 0 : i32
      %dma_wait3A_123 = arith.constant 0 : i32
      %dma_wait3A_124 = tpu.memref_slice %arg3[%dma_wait3A_122, %dma_wait3A_123] : memref<10000x128xf32, #tpu.memory_space<hbm>> -> memref<10000x128xf32, #tpu.memory_space<hbm>>
      tpu.wait_indirect_dma semaphore(%arg11 : memref<!tpu.dma_semaphore, #tpu.memory_space<semaphore_mem>>) src(%dma_wait3A_124 : memref<10000x128xf32, #tpu.memory_space<hbm>>) dst(%dma_wait3A_120 : memref<128x128xf32, #tpu.memory_space<vmem>>)
      %add3A_125 = arith.constant 0 : i32
      %add3A_126 = arith.addi %mul3A_16, %add3A_125 : i32
      %mul3A_127 = arith.constant 128 : i32
      %mul3A_128 = arith.muli %add3A_126, %mul3A_127 : i32
      %add3A_129 = arith.addi %mul3A_2, %mul3A_128 : i32
      %dma_start3A_130 = arith.constant 0 : i32
      %dma_start3A_131 = arith.constant 0 : i32
      %dma_start3A_132 = arith.constant 0 : i32
      %dma_start3A_133 = tpu.memref_slice %arg10[%dma_start3A_130, %dma_start3A_131, %dma_start3A_132] : memref<5x128x128xf32, #tpu.memory_space<vmem>> -> memref<1x128x128xf32, #tpu.memory_space<vmem>>
      %dma_start3A_134 = tpu.memref_squeeze %dma_start3A_133 : memref<1x128x128xf32, #tpu.memory_space<vmem>> -> memref<128x128xf32, #tpu.memory_space<vmem>>
      %dma_start3A_135 = arith.constant 0 : i32
      %dma_start3A_136 = tpu.memref_slice %arg7[%add3A_129, %dma_start3A_135] : memref<327680x128xf32, #tpu.memory_space<hbm>> -> memref<128x128xf32, #tpu.memory_space<hbm>>
      %dma_start3A_137 = arith.constant 0 : i32
      %dma_start3A_138 = tpu.memref_slice %arg7[%add3A_129, %dma_start3A_137] : memref<327680x128xf32, #tpu.memory_space<hbm>> -> memref<128x128xf32, #tpu.memory_space<hbm>>
      %dma_start3A_139 = arith.constant 0 : i32
      %dma_start3A_140 = arith.constant 0 : i32
      %dma_start3A_141 = tpu.memref_slice %arg10[%dma_start3A_130, %dma_start3A_139, %dma_start3A_140] : memref<5x128x128xf32, #tpu.memory_space<vmem>> -> memref<1x128x128xf32, #tpu.memory_space<vmem>>
      %dma_start3A_142 = tpu.memref_squeeze %dma_start3A_141 : memref<1x128x128xf32, #tpu.memory_space<vmem>> -> memref<128x128xf32, #tpu.memory_space<vmem>>
      tpu.enqueue_dma source(%dma_start3A_142 : memref<128x128xf32, #tpu.memory_space<vmem>>) target(%dma_start3A_138 : memref<128x128xf32, #tpu.memory_space<hbm>>) target_semaphore(%arg12 : memref<!tpu.dma_semaphore, #tpu.memory_space<semaphore_mem>>)
      %add3A_143 = arith.constant 1 : i32
      %add3A_144 = arith.addi %mul3A_16, %add3A_143 : i32
      %mul3A_145 = arith.constant 128 : i32
      %mul3A_146 = arith.muli %add3A_144, %mul3A_145 : i32
      %add3A_147 = arith.addi %mul3A_2, %mul3A_146 : i32
      %dma_start3A_148 = arith.constant 1 : i32
      %dma_start3A_149 = arith.constant 0 : i32
      %dma_start3A_150 = arith.constant 0 : i32
      %dma_start3A_151 = tpu.memref_slice %arg10[%dma_start3A_148, %dma_start3A_149, %dma_start3A_150] : memref<5x128x128xf32, #tpu.memory_space<vmem>> -> memref<1x128x128xf32, #tpu.memory_space<vmem>>
      %dma_start3A_152 = tpu.memref_squeeze %dma_start3A_151 : memref<1x128x128xf32, #tpu.memory_space<vmem>> -> memref<128x128xf32, #tpu.memory_space<vmem>>
      %dma_start3A_153 = arith.constant 0 : i32
      %dma_start3A_154 = tpu.memref_slice %arg7[%add3A_147, %dma_start3A_153] : memref<327680x128xf32, #tpu.memory_space<hbm>> -> memref<128x128xf32, #tpu.memory_space<hbm>>
      %dma_start3A_155 = arith.constant 0 : i32
      %dma_start3A_156 = tpu.memref_slice %arg7[%add3A_147, %dma_start3A_155] : memref<327680x128xf32, #tpu.memory_space<hbm>> -> memref<128x128xf32, #tpu.memory_space<hbm>>
      %dma_start3A_157 = arith.constant 0 : i32
      %dma_start3A_158 = arith.constant 0 : i32
      %dma_start3A_159 = tpu.memref_slice %arg10[%dma_start3A_148, %dma_start3A_157, %dma_start3A_158] : memref<5x128x128xf32, #tpu.memory_space<vmem>> -> memref<1x128x128xf32, #tpu.memory_space<vmem>>
      %dma_start3A_160 = tpu.memref_squeeze %dma_start3A_159 : memref<1x128x128xf32, #tpu.memory_space<vmem>> -> memref<128x128xf32, #tpu.memory_space<vmem>>
      tpu.enqueue_dma source(%dma_start3A_160 : memref<128x128xf32, #tpu.memory_space<vmem>>) target(%dma_start3A_156 : memref<128x128xf32, #tpu.memory_space<hbm>>) target_semaphore(%arg12 : memref<!tpu.dma_semaphore, #tpu.memory_space<semaphore_mem>>)
      %add3A_161 = arith.constant 2 : i32
      %add3A_162 = arith.addi %mul3A_16, %add3A_161 : i32
      %mul3A_163 = arith.constant 128 : i32
      %mul3A_164 = arith.muli %add3A_162, %mul3A_163 : i32
      %add3A_165 = arith.addi %mul3A_2, %mul3A_164 : i32
      %dma_start3A_166 = arith.constant 2 : i32
      %dma_start3A_167 = arith.constant 0 : i32
      %dma_start3A_168 = arith.constant 0 : i32
      %dma_start3A_169 = tpu.memref_slice %arg10[%dma_start3A_166, %dma_start3A_167, %dma_start3A_168] : memref<5x128x128xf32, #tpu.memory_space<vmem>> -> memref<1x128x128xf32, #tpu.memory_space<vmem>>
      %dma_start3A_170 = tpu.memref_squeeze %dma_start3A_169 : memref<1x128x128xf32, #tpu.memory_space<vmem>> -> memref<128x128xf32, #tpu.memory_space<vmem>>
      %dma_start3A_171 = arith.constant 0 : i32
      %dma_start3A_172 = tpu.memref_slice %arg7[%add3A_165, %dma_start3A_171] : memref<327680x128xf32, #tpu.memory_space<hbm>> -> memref<128x128xf32, #tpu.memory_space<hbm>>
      %dma_start3A_173 = arith.constant 0 : i32
      %dma_start3A_174 = tpu.memref_slice %arg7[%add3A_165, %dma_start3A_173] : memref<327680x128xf32, #tpu.memory_space<hbm>> -> memref<128x128xf32, #tpu.memory_space<hbm>>
      %dma_start3A_175 = arith.constant 0 : i32
      %dma_start3A_176 = arith.constant 0 : i32
      %dma_start3A_177 = tpu.memref_slice %arg10[%dma_start3A_166, %dma_start3A_175, %dma_start3A_176] : memref<5x128x128xf32, #tpu.memory_space<vmem>> -> memref<1x128x128xf32, #tpu.memory_space<vmem>>
      %dma_start3A_178 = tpu.memref_squeeze %dma_start3A_177 : memref<1x128x128xf32, #tpu.memory_space<vmem>> -> memref<128x128xf32, #tpu.memory_space<vmem>>
      tpu.enqueue_dma source(%dma_start3A_178 : memref<128x128xf32, #tpu.memory_space<vmem>>) target(%dma_start3A_174 : memref<128x128xf32, #tpu.memory_space<hbm>>) target_semaphore(%arg12 : memref<!tpu.dma_semaphore, #tpu.memory_space<semaphore_mem>>)
      %add3A_179 = arith.constant 3 : i32
      %add3A_180 = arith.addi %mul3A_16, %add3A_179 : i32
      %mul3A_181 = arith.constant 128 : i32
      %mul3A_182 = arith.muli %add3A_180, %mul3A_181 : i32
      %add3A_183 = arith.addi %mul3A_2, %mul3A_182 : i32
      %dma_start3A_184 = arith.constant 3 : i32
      %dma_start3A_185 = arith.constant 0 : i32
      %dma_start3A_186 = arith.constant 0 : i32
      %dma_start3A_187 = tpu.memref_slice %arg10[%dma_start3A_184, %dma_start3A_185, %dma_start3A_186] : memref<5x128x128xf32, #tpu.memory_space<vmem>> -> memref<1x128x128xf32, #tpu.memory_space<vmem>>
      %dma_start3A_188 = tpu.memref_squeeze %dma_start3A_187 : memref<1x128x128xf32, #tpu.memory_space<vmem>> -> memref<128x128xf32, #tpu.memory_space<vmem>>
      %dma_start3A_189 = arith.constant 0 : i32
      %dma_start3A_190 = tpu.memref_slice %arg7[%add3A_183, %dma_start3A_189] : memref<327680x128xf32, #tpu.memory_space<hbm>> -> memref<128x128xf32, #tpu.memory_space<hbm>>
      %dma_start3A_191 = arith.constant 0 : i32
      %dma_start3A_192 = tpu.memref_slice %arg7[%add3A_183, %dma_start3A_191] : memref<327680x128xf32, #tpu.memory_space<hbm>> -> memref<128x128xf32, #tpu.memory_space<hbm>>
      %dma_start3A_193 = arith.constant 0 : i32
      %dma_start3A_194 = arith.constant 0 : i32
      %dma_start3A_195 = tpu.memref_slice %arg10[%dma_start3A_184, %dma_start3A_193, %dma_start3A_194] : memref<5x128x128xf32, #tpu.memory_space<vmem>> -> memref<1x128x128xf32, #tpu.memory_space<vmem>>
      %dma_start3A_196 = tpu.memref_squeeze %dma_start3A_195 : memref<1x128x128xf32, #tpu.memory_space<vmem>> -> memref<128x128xf32, #tpu.memory_space<vmem>>
      tpu.enqueue_dma source(%dma_start3A_196 : memref<128x128xf32, #tpu.memory_space<vmem>>) target(%dma_start3A_192 : memref<128x128xf32, #tpu.memory_space<hbm>>) target_semaphore(%arg12 : memref<!tpu.dma_semaphore, #tpu.memory_space<semaphore_mem>>)
      %add3A_197 = arith.constant 4 : i32
      %add3A_198 = arith.addi %mul3A_16, %add3A_197 : i32
      %mul3A_199 = arith.constant 128 : i32
      %mul3A_200 = arith.muli %add3A_198, %mul3A_199 : i32
      %add3A_201 = arith.addi %mul3A_2, %mul3A_200 : i32
      %dma_start3A_202 = arith.constant 4 : i32
      %dma_start3A_203 = arith.constant 0 : i32
      %dma_start3A_204 = arith.constant 0 : i32
      %dma_start3A_205 = tpu.memref_slice %arg10[%dma_start3A_202, %dma_start3A_203, %dma_start3A_204] : memref<5x128x128xf32, #tpu.memory_space<vmem>> -> memref<1x128x128xf32, #tpu.memory_space<vmem>>
      %dma_start3A_206 = tpu.memref_squeeze %dma_start3A_205 : memref<1x128x128xf32, #tpu.memory_space<vmem>> -> memref<128x128xf32, #tpu.memory_space<vmem>>
      %dma_start3A_207 = arith.constant 0 : i32
      %dma_start3A_208 = tpu.memref_slice %arg7[%add3A_201, %dma_start3A_207] : memref<327680x128xf32, #tpu.memory_space<hbm>> -> memref<128x128xf32, #tpu.memory_space<hbm>>
      %dma_start3A_209 = arith.constant 0 : i32
      %dma_start3A_210 = tpu.memref_slice %arg7[%add3A_201, %dma_start3A_209] : memref<327680x128xf32, #tpu.memory_space<hbm>> -> memref<128x128xf32, #tpu.memory_space<hbm>>
      %dma_start3A_211 = arith.constant 0 : i32
      %dma_start3A_212 = arith.constant 0 : i32
      %dma_start3A_213 = tpu.memref_slice %arg10[%dma_start3A_202, %dma_start3A_211, %dma_start3A_212] : memref<5x128x128xf32, #tpu.memory_space<vmem>> -> memref<1x128x128xf32, #tpu.memory_space<vmem>>
      %dma_start3A_214 = tpu.memref_squeeze %dma_start3A_213 : memref<1x128x128xf32, #tpu.memory_space<vmem>> -> memref<128x128xf32, #tpu.memory_space<vmem>>
      tpu.enqueue_dma source(%dma_start3A_214 : memref<128x128xf32, #tpu.memory_space<vmem>>) target(%dma_start3A_210 : memref<128x128xf32, #tpu.memory_space<hbm>>) target_semaphore(%arg12 : memref<!tpu.dma_semaphore, #tpu.memory_space<semaphore_mem>>)
      %dma_wait3A_215 = arith.constant 0 : i32
      %dma_wait3A_216 = arith.constant 0 : i32
      %dma_wait3A_217 = arith.constant 0 : i32
      %dma_wait3A_218 = tpu.memref_slice %arg10[%dma_wait3A_215, %dma_wait3A_216, %dma_wait3A_217] : memref<5x128x128xf32, #tpu.memory_space<vmem>> -> memref<1x128x128xf32, #tpu.memory_space<vmem>>
      %dma_wait3A_219 = tpu.memref_squeeze %dma_wait3A_218 : memref<1x128x128xf32, #tpu.memory_space<vmem>> -> memref<128x128xf32, #tpu.memory_space<vmem>>
      %dma_wait3A_220 = arith.constant 0 : i32
      %dma_wait3A_221 = tpu.memref_slice %arg7[%add3A_129, %dma_wait3A_220] : memref<327680x128xf32, #tpu.memory_space<hbm>> -> memref<128x128xf32, #tpu.memory_space<hbm>>
      %dma_wait3A_222 = arith.constant 0 : i32
      %dma_wait3A_223 = tpu.memref_slice %arg7[%add3A_129, %dma_wait3A_222] : memref<327680x128xf32, #tpu.memory_space<hbm>> -> memref<128x128xf32, #tpu.memory_space<hbm>>
      %dma_wait3A_224 = arith.constant 0 : i32
      %dma_wait3A_225 = arith.constant 0 : i32
      %dma_wait3A_226 = tpu.memref_slice %arg10[%dma_wait3A_215, %dma_wait3A_224, %dma_wait3A_225] : memref<5x128x128xf32, #tpu.memory_space<vmem>> -> memref<1x128x128xf32, #tpu.memory_space<vmem>>
      %dma_wait3A_227 = tpu.memref_squeeze %dma_wait3A_226 : memref<1x128x128xf32, #tpu.memory_space<vmem>> -> memref<128x128xf32, #tpu.memory_space<vmem>>
      tpu.wait_dma2 semaphore(%arg12 : memref<!tpu.dma_semaphore, #tpu.memory_space<semaphore_mem>>) src(%dma_wait3A_227 : memref<128x128xf32, #tpu.memory_space<vmem>>) dst(%dma_wait3A_223 : memref<128x128xf32, #tpu.memory_space<hbm>>)
      %dma_wait3A_228 = arith.constant 1 : i32
      %dma_wait3A_229 = arith.constant 0 : i32
      %dma_wait3A_230 = arith.constant 0 : i32
      %dma_wait3A_231 = tpu.memref_slice %arg10[%dma_wait3A_228, %dma_wait3A_229, %dma_wait3A_230] : memref<5x128x128xf32, #tpu.memory_space<vmem>> -> memref<1x128x128xf32, #tpu.memory_space<vmem>>
      %dma_wait3A_232 = tpu.memref_squeeze %dma_wait3A_231 : memref<1x128x128xf32, #tpu.memory_space<vmem>> -> memref<128x128xf32, #tpu.memory_space<vmem>>
      %dma_wait3A_233 = arith.constant 0 : i32
      %dma_wait3A_234 = tpu.memref_slice %arg7[%add3A_147, %dma_wait3A_233] : memref<327680x128xf32, #tpu.memory_space<hbm>> -> memref<128x128xf32, #tpu.memory_space<hbm>>
      %dma_wait3A_235 = arith.constant 0 : i32
      %dma_wait3A_236 = tpu.memref_slice %arg7[%add3A_147, %dma_wait3A_235] : memref<327680x128xf32, #tpu.memory_space<hbm>> -> memref<128x128xf32, #tpu.memory_space<hbm>>
      %dma_wait3A_237 = arith.constant 0 : i32
      %dma_wait3A_238 = arith.constant 0 : i32
      %dma_wait3A_239 = tpu.memref_slice %arg10[%dma_wait3A_228, %dma_wait3A_237, %dma_wait3A_238] : memref<5x128x128xf32, #tpu.memory_space<vmem>> -> memref<1x128x128xf32, #tpu.memory_space<vmem>>
      %dma_wait3A_240 = tpu.memref_squeeze %dma_wait3A_239 : memref<1x128x128xf32, #tpu.memory_space<vmem>> -> memref<128x128xf32, #tpu.memory_space<vmem>>
      tpu.wait_dma2 semaphore(%arg12 : memref<!tpu.dma_semaphore, #tpu.memory_space<semaphore_mem>>) src(%dma_wait3A_240 : memref<128x128xf32, #tpu.memory_space<vmem>>) dst(%dma_wait3A_236 : memref<128x128xf32, #tpu.memory_space<hbm>>)
      %dma_wait3A_241 = arith.constant 2 : i32
      %dma_wait3A_242 = arith.constant 0 : i32
      %dma_wait3A_243 = arith.constant 0 : i32
      %dma_wait3A_244 = tpu.memref_slice %arg10[%dma_wait3A_241, %dma_wait3A_242, %dma_wait3A_243] : memref<5x128x128xf32, #tpu.memory_space<vmem>> -> memref<1x128x128xf32, #tpu.memory_space<vmem>>
      %dma_wait3A_245 = tpu.memref_squeeze %dma_wait3A_244 : memref<1x128x128xf32, #tpu.memory_space<vmem>> -> memref<128x128xf32, #tpu.memory_space<vmem>>
      %dma_wait3A_246 = arith.constant 0 : i32
      %dma_wait3A_247 = tpu.memref_slice %arg7[%add3A_165, %dma_wait3A_246] : memref<327680x128xf32, #tpu.memory_space<hbm>> -> memref<128x128xf32, #tpu.memory_space<hbm>>
      %dma_wait3A_248 = arith.constant 0 : i32
      %dma_wait3A_249 = tpu.memref_slice %arg7[%add3A_165, %dma_wait3A_248] : memref<327680x128xf32, #tpu.memory_space<hbm>> -> memref<128x128xf32, #tpu.memory_space<hbm>>
      %dma_wait3A_250 = arith.constant 0 : i32
      %dma_wait3A_251 = arith.constant 0 : i32
      %dma_wait3A_252 = tpu.memref_slice %arg10[%dma_wait3A_241, %dma_wait3A_250, %dma_wait3A_251] : memref<5x128x128xf32, #tpu.memory_space<vmem>> -> memref<1x128x128xf32, #tpu.memory_space<vmem>>
      %dma_wait3A_253 = tpu.memref_squeeze %dma_wait3A_252 : memref<1x128x128xf32, #tpu.memory_space<vmem>> -> memref<128x128xf32, #tpu.memory_space<vmem>>
      tpu.wait_dma2 semaphore(%arg12 : memref<!tpu.dma_semaphore, #tpu.memory_space<semaphore_mem>>) src(%dma_wait3A_253 : memref<128x128xf32, #tpu.memory_space<vmem>>) dst(%dma_wait3A_249 : memref<128x128xf32, #tpu.memory_space<hbm>>)
      %dma_wait3A_254 = arith.constant 3 : i32
      %dma_wait3A_255 = arith.constant 0 : i32
      %dma_wait3A_256 = arith.constant 0 : i32
      %dma_wait3A_257 = tpu.memref_slice %arg10[%dma_wait3A_254, %dma_wait3A_255, %dma_wait3A_256] : memref<5x128x128xf32, #tpu.memory_space<vmem>> -> memref<1x128x128xf32, #tpu.memory_space<vmem>>
      %dma_wait3A_258 = tpu.memref_squeeze %dma_wait3A_257 : memref<1x128x128xf32, #tpu.memory_space<vmem>> -> memref<128x128xf32, #tpu.memory_space<vmem>>
      %dma_wait3A_259 = arith.constant 0 : i32
      %dma_wait3A_260 = tpu.memref_slice %arg7[%add3A_183, %dma_wait3A_259] : memref<327680x128xf32, #tpu.memory_space<hbm>> -> memref<128x128xf32, #tpu.memory_space<hbm>>
      %dma_wait3A_261 = arith.constant 0 : i32
      %dma_wait3A_262 = tpu.memref_slice %arg7[%add3A_183, %dma_wait3A_261] : memref<327680x128xf32, #tpu.memory_space<hbm>> -> memref<128x128xf32, #tpu.memory_space<hbm>>
      %dma_wait3A_263 = arith.constant 0 : i32
      %dma_wait3A_264 = arith.constant 0 : i32
      %dma_wait3A_265 = tpu.memref_slice %arg10[%dma_wait3A_254, %dma_wait3A_263, %dma_wait3A_264] : memref<5x128x128xf32, #tpu.memory_space<vmem>> -> memref<1x128x128xf32, #tpu.memory_space<vmem>>
      %dma_wait3A_266 = tpu.memref_squeeze %dma_wait3A_265 : memref<1x128x128xf32, #tpu.memory_space<vmem>> -> memref<128x128xf32, #tpu.memory_space<vmem>>
      tpu.wait_dma2 semaphore(%arg12 : memref<!tpu.dma_semaphore, #tpu.memory_space<semaphore_mem>>) src(%dma_wait3A_266 : memref<128x128xf32, #tpu.memory_space<vmem>>) dst(%dma_wait3A_262 : memref<128x128xf32, #tpu.memory_space<hbm>>)
      %dma_wait3A_267 = arith.constant 4 : i32
      %dma_wait3A_268 = arith.constant 0 : i32
      %dma_wait3A_269 = arith.constant 0 : i32
      %dma_wait3A_270 = tpu.memref_slice %arg10[%dma_wait3A_267, %dma_wait3A_268, %dma_wait3A_269] : memref<5x128x128xf32, #tpu.memory_space<vmem>> -> memref<1x128x128xf32, #tpu.memory_space<vmem>>
      %dma_wait3A_271 = tpu.memref_squeeze %dma_wait3A_270 : memref<1x128x128xf32, #tpu.memory_space<vmem>> -> memref<128x128xf32, #tpu.memory_space<vmem>>
      %dma_wait3A_272 = arith.constant 0 : i32
      %dma_wait3A_273 = tpu.memref_slice %arg7[%add3A_201, %dma_wait3A_272] : memref<327680x128xf32, #tpu.memory_space<hbm>> -> memref<128x128xf32, #tpu.memory_space<hbm>>
      %dma_wait3A_274 = arith.constant 0 : i32
      %dma_wait3A_275 = tpu.memref_slice %arg7[%add3A_201, %dma_wait3A_274] : memref<327680x128xf32, #tpu.memory_space<hbm>> -> memref<128x128xf32, #tpu.memory_space<hbm>>
      %dma_wait3A_276 = arith.constant 0 : i32
      %dma_wait3A_277 = arith.constant 0 : i32
      %dma_wait3A_278 = tpu.memref_slice %arg10[%dma_wait3A_267, %dma_wait3A_276, %dma_wait3A_277] : memref<5x128x128xf32, #tpu.memory_space<vmem>> -> memref<1x128x128xf32, #tpu.memory_space<vmem>>
      %dma_wait3A_279 = tpu.memref_squeeze %dma_wait3A_278 : memref<1x128x128xf32, #tpu.memory_space<vmem>> -> memref<128x128xf32, #tpu.memory_space<vmem>>
      tpu.wait_dma2 semaphore(%arg12 : memref<!tpu.dma_semaphore, #tpu.memory_space<semaphore_mem>>) src(%dma_wait3A_279 : memref<128x128xf32, #tpu.memory_space<vmem>>) dst(%dma_wait3A_275 : memref<128x128xf32, #tpu.memory_space<hbm>>)
    }
    %scan3A_13 = arith.constant 16 : i32
    return
  }
}

#map = affine_map<(d0, d1) -> (0, 0)>
#map1 = affine_map<(d0, d1) -> (0)>
module attributes {stable_mosaic.version = 14 : i64} {
  func.func @_segsum_body(%arg0: i32, %arg1: i32, %arg2: memref<327680x16xf32, #tpu.memory_space<hbm>>, %arg3: memref<327680xi32, #tpu.memory_space<hbm>>, %arg4: memref<20000x16xf32, #tpu.memory_space<hbm>>, %arg5: memref<10240x16xf32, #tpu.memory_space<vmem_shared>>, %arg6: memref<10240xi32, #tpu.memory_space<vmem>>, %arg7: memref<128x16xf32, #tpu.memory_space<vmem>>, %arg8: memref<1024x16xf32, #tpu.memory_space<vmem>>) attributes {dimension_semantics = [#tpu.dimension_semantics<core_parallel>, #tpu.dimension_semantics<subcore_parallel>], iteration_bounds = array<i64: 2, 16>, scalar_prefetch = 0 : i64, scratch_operands = 4 : i64, tpu.core_type = #tpu.core_type<sc_vector_subcore>, window_params = [{transform_indices = #map}, {transform_indices = #map1}, {transform_indices = #map}]} {
    %mul3A = arith.constant 2 : i32
    %mul3A_0 = arith.muli %arg1, %mul3A : i32
    %add3A = arith.addi %mul3A_0, %arg0 : i32
    %scan3A = arith.constant 0 : i32
    %scan3A_1 = arith.constant 0 : i32
    %scan3A_2 = arith.constant 1024 : i32
    %scan3A_3 = arith.addi %scan3A_1, %scan3A_2 : i32
    %scan3A_4 = arith.constant 1 : i32
    scf.for %scan3A_22 = %scan3A_1 to %scan3A_3 step %scan3A_4  : i32 {
      %broadcast_in_dim3A = arith.constant 0.000000e+00 : f32
      %broadcast_in_dim3A_23 = vector.broadcast %broadcast_in_dim3A : f32 to vector<16xf32>
      %swap3A = arith.index_cast %scan3A_22 : i32 to index
      %swap3A_24 = arith.constant 0 : index
      %swap3A_25 = tpu.vector_load %arg8[%swap3A, %swap3A_24] {strides = array<i32>} : memref<1024x16xf32, #tpu.memory_space<vmem>>, vector<1x16xf32>,
      %swap3A_26 = vector.shape_cast %swap3A_25 : vector<1x16xf32> to vector<16xf32>
      %swap3A_27 = vector.shape_cast %broadcast_in_dim3A_23 : vector<16xf32> to vector<1x16xf32>
      tpu.vector_store %arg8[%swap3A, %swap3A_24], %swap3A_27 {strides = array<i32>} : memref<1024x16xf32, #tpu.memory_space<vmem>>, vector<1x16xf32>,
    }
    %scan3A_5 = arith.constant 1024 : i32
    %lt3A = arith.constant 10 : i32
    %lt3A_6 = arith.cmpi slt, %arg1, %lt3A : i32
    %convert_element_type3A = arith.extui %lt3A_6 : i1 to i32
    %cond3A = arith.constant 0 : i32
    %cond3A_7 = arith.cmpi ne, %convert_element_type3A, %cond3A : i32
    scf.if %cond3A_7 {
      %mul3A_22 = arith.constant 1024 : i32
      %mul3A_23 = arith.muli %arg1, %mul3A_22 : i32
      "tpu.region"() ({
        %run_scoped3A = tpu.sem_alloc : memref<!tpu.dma_semaphore, #tpu.memory_space<semaphore_mem>>
        %dma_start3A = arith.constant 0 : i32
        %dma_start3A_24 = tpu.memref_slice %arg5[%mul3A_23, %dma_start3A] : memref<10240x16xf32, #tpu.memory_space<vmem_shared>> -> memref<1024x16xf32, #tpu.memory_space<vmem_shared>>
        %dma_start3A_25 = arith.constant 0 : i32
        %dma_start3A_26 = tpu.memref_slice %arg5[%mul3A_23, %dma_start3A_25] : memref<10240x16xf32, #tpu.memory_space<vmem_shared>> -> memref<1024x16xf32, #tpu.memory_space<vmem_shared>>
        tpu.enqueue_dma source(%arg8 : memref<1024x16xf32, #tpu.memory_space<vmem>>) target(%dma_start3A_26 : memref<1024x16xf32, #tpu.memory_space<vmem_shared>>) target_semaphore(%run_scoped3A : memref<!tpu.dma_semaphore, #tpu.memory_space<semaphore_mem>>)
        %dma_wait3A = arith.constant 0 : i32
        %dma_wait3A_27 = tpu.memref_slice %arg5[%mul3A_23, %dma_wait3A] : memref<10240x16xf32, #tpu.memory_space<vmem_shared>> -> memref<1024x16xf32, #tpu.memory_space<vmem_shared>>
        %dma_wait3A_28 = arith.constant 0 : i32
        %dma_wait3A_29 = tpu.memref_slice %arg5[%mul3A_23, %dma_wait3A_28] : memref<10240x16xf32, #tpu.memory_space<vmem_shared>> -> memref<1024x16xf32, #tpu.memory_space<vmem_shared>>
        tpu.wait_dma2 semaphore(%run_scoped3A : memref<!tpu.dma_semaphore, #tpu.memory_space<semaphore_mem>>) src(%arg8 : memref<1024x16xf32, #tpu.memory_space<vmem>>) dst(%dma_wait3A_29 : memref<1024x16xf32, #tpu.memory_space<vmem_shared>>)
        tpu.yield
      }) : () -> ()
    } else {
    }
    %barrier3A = arith.constant 0 : index
    tpu.barrier barrier_id(%barrier3A)
    %mul3A_8 = arith.constant 10240 : i32
    %mul3A_9 = arith.muli %add3A, %mul3A_8 : i32
    "tpu.region"() ({
      %run_scoped3A = tpu.sem_alloc : memref<!tpu.dma_semaphore, #tpu.memory_space<semaphore_mem>>
      %dma_start3A = tpu.memref_slice %arg3[%mul3A_9] : memref<327680xi32, #tpu.memory_space<hbm>> -> memref<10240xi32, #tpu.memory_space<hbm>>
      %dma_start3A_22 = tpu.memref_slice %arg3[%mul3A_9] : memref<327680xi32, #tpu.memory_space<hbm>> -> memref<10240xi32, #tpu.memory_space<hbm>>
      tpu.enqueue_dma source(%dma_start3A_22 : memref<10240xi32, #tpu.memory_space<hbm>>) target(%arg6 : memref<10240xi32, #tpu.memory_space<vmem>>) target_semaphore(%run_scoped3A : memref<!tpu.dma_semaphore, #tpu.memory_space<semaphore_mem>>)
      %dma_wait3A = tpu.memref_slice %arg3[%mul3A_9] : memref<327680xi32, #tpu.memory_space<hbm>> -> memref<10240xi32, #tpu.memory_space<hbm>>
      %dma_wait3A_23 = tpu.memref_slice %arg3[%mul3A_9] : memref<327680xi32, #tpu.memory_space<hbm>> -> memref<10240xi32, #tpu.memory_space<hbm>>
      tpu.wait_dma2 semaphore(%run_scoped3A : memref<!tpu.dma_semaphore, #tpu.memory_space<semaphore_mem>>) src(%dma_wait3A_23 : memref<10240xi32, #tpu.memory_space<hbm>>) dst(%arg6 : memref<10240xi32, #tpu.memory_space<vmem>>)
      tpu.yield
    }) : () -> ()
    %scan3A_10 = arith.constant 0 : i32
    %scan3A_11 = arith.constant 0 : i32
    %scan3A_12 = arith.constant 80 : i32
    %scan3A_13 = arith.addi %scan3A_11, %scan3A_12 : i32
    %scan3A_14 = arith.constant 1 : i32
    scf.for %scan3A_22 = %scan3A_11 to %scan3A_13 step %scan3A_14  : i32 {
      %mul3A_23 = arith.constant 10240 : i32
      %mul3A_24 = arith.muli %add3A, %mul3A_23 : i32
      %mul3A_25 = arith.constant 128 : i32
      %mul3A_26 = arith.muli %scan3A_22, %mul3A_25 : i32
      %add3A_27 = arith.addi %mul3A_24, %mul3A_26 : i32
      "tpu.region"() ({
        %run_scoped3A = tpu.sem_alloc : memref<!tpu.dma_semaphore, #tpu.memory_space<semaphore_mem>>
        %dma_start3A = arith.constant 0 : i32
        %dma_start3A_30 = tpu.memref_slice %arg2[%add3A_27, %dma_start3A] : memref<327680x16xf32, #tpu.memory_space<hbm>> -> memref<128x16xf32, #tpu.memory_space<hbm>>
        %dma_start3A_31 = arith.constant 0 : i32
        %dma_start3A_32 = tpu.memref_slice %arg2[%add3A_27, %dma_start3A_31] : memref<327680x16xf32, #tpu.memory_space<hbm>> -> memref<128x16xf32, #tpu.memory_space<hbm>>
        tpu.enqueue_dma source(%dma_start3A_32 : memref<128x16xf32, #tpu.memory_space<hbm>>) target(%arg7 : memref<128x16xf32, #tpu.memory_space<vmem>>) target_semaphore(%run_scoped3A : memref<!tpu.dma_semaphore, #tpu.memory_space<semaphore_mem>>)
        %dma_wait3A = arith.constant 0 : i32
        %dma_wait3A_33 = tpu.memref_slice %arg2[%add3A_27, %dma_wait3A] : memref<327680x16xf32, #tpu.memory_space<hbm>> -> memref<128x16xf32, #tpu.memory_space<hbm>>
        %dma_wait3A_34 = arith.constant 0 : i32
        %dma_wait3A_35 = tpu.memref_slice %arg2[%add3A_27, %dma_wait3A_34] : memref<327680x16xf32, #tpu.memory_space<hbm>> -> memref<128x16xf32, #tpu.memory_space<hbm>>
        tpu.wait_dma2 semaphore(%run_scoped3A : memref<!tpu.dma_semaphore, #tpu.memory_space<semaphore_mem>>) src(%dma_wait3A_35 : memref<128x16xf32, #tpu.memory_space<hbm>>) dst(%arg7 : memref<128x16xf32, #tpu.memory_space<vmem>>)
        tpu.yield
      }) : () -> ()
      %mul3A_28 = arith.constant 128 : i32
      %mul3A_29 = arith.muli %scan3A_22, %mul3A_28 : i32
      "tpu.region"() ({
        %run_scoped3A = tpu.sem_alloc : memref<!tpu.dma_semaphore, #tpu.memory_space<semaphore_mem>>
        %dma_start3A = tpu.memref_slice %arg6[%mul3A_29] : memref<10240xi32, #tpu.memory_space<vmem>> -> memref<128xi32, #tpu.memory_space<vmem>>
        %dma_start3A_30 = arith.constant 0 : i32
        %dma_start3A_31 = arith.constant 0 : i32
        %dma_start3A_32 = tpu.memref_slice %arg5[%dma_start3A_30, %dma_start3A_31] : memref<10240x16xf32, #tpu.memory_space<vmem_shared>> -> memref<10240x16xf32, #tpu.memory_space<vmem_shared>>
        tpu.enqueue_indirect_dma source(%arg7 : memref<128x16xf32, #tpu.memory_space<vmem>>) target(%dma_start3A_32 : memref<10240x16xf32, #tpu.memory_space<vmem_shared>>) offsets(%dma_start3A : memref<128xi32, #tpu.memory_space<vmem>>) semaphore(%run_scoped3A : memref<!tpu.dma_semaphore, #tpu.memory_space<semaphore_mem>>) {add = true}
        %dma_wait3A = tpu.memref_slice %arg6[%mul3A_29] : memref<10240xi32, #tpu.memory_space<vmem>> -> memref<128xi32, #tpu.memory_space<vmem>>
        %dma_wait3A_33 = arith.constant 0 : i32
        %dma_wait3A_34 = arith.constant 0 : i32
        %dma_wait3A_35 = tpu.memref_slice %arg5[%dma_wait3A_33, %dma_wait3A_34] : memref<10240x16xf32, #tpu.memory_space<vmem_shared>> -> memref<10240x16xf32, #tpu.memory_space<vmem_shared>>
        tpu.wait_indirect_dma semaphore(%run_scoped3A : memref<!tpu.dma_semaphore, #tpu.memory_space<semaphore_mem>>) src(%arg7 : memref<128x16xf32, #tpu.memory_space<vmem>>) dst(%dma_wait3A_35 : memref<10240x16xf32, #tpu.memory_space<vmem_shared>>)
        tpu.yield
      }) : () -> ()
    }
    %scan3A_15 = arith.constant 80 : i32
    %barrier3A_16 = arith.constant 0 : index
    tpu.barrier barrier_id(%barrier3A_16)
    %lt3A_17 = arith.constant 10 : i32
    %lt3A_18 = arith.cmpi slt, %arg1, %lt3A_17 : i32
    %convert_element_type3A_19 = arith.extui %lt3A_18 : i1 to i32
    %cond3A_20 = arith.constant 0 : i32
    %cond3A_21 = arith.cmpi ne, %convert_element_type3A_19, %cond3A_20 : i32
    scf.if %cond3A_21 {
      %mul3A_22 = arith.constant 1000 : i32
      %mul3A_23 = arith.muli %arg1, %mul3A_22 : i32
      "tpu.region"() ({
        %run_scoped3A = tpu.sem_alloc : memref<!tpu.dma_semaphore, #tpu.memory_space<semaphore_mem>>
        %dma_start3A = arith.constant 0 : i32
        %dma_start3A_29 = arith.constant 0 : i32
        %dma_start3A_30 = tpu.memref_slice %arg8[%dma_start3A, %dma_start3A_29] : memref<1024x16xf32, #tpu.memory_space<vmem>> -> memref<1000x16xf32, #tpu.memory_space<vmem>>
        %dma_start3A_31 = arith.constant 0 : i32
        %dma_start3A_32 = tpu.memref_slice %arg5[%mul3A_23, %dma_start3A_31] : memref<10240x16xf32, #tpu.memory_space<vmem_shared>> -> memref<1000x16xf32, #tpu.memory_space<vmem_shared>>
        %dma_start3A_33 = arith.constant 0 : i32
        %dma_start3A_34 = arith.constant 0 : i32
        %dma_start3A_35 = tpu.memref_slice %arg8[%dma_start3A_33, %dma_start3A_34] : memref<1024x16xf32, #tpu.memory_space<vmem>> -> memref<1000x16xf32, #tpu.memory_space<vmem>>
        %dma_start3A_36 = arith.constant 0 : i32
        %dma_start3A_37 = tpu.memref_slice %arg5[%mul3A_23, %dma_start3A_36] : memref<10240x16xf32, #tpu.memory_space<vmem_shared>> -> memref<1000x16xf32, #tpu.memory_space<vmem_shared>>
        tpu.enqueue_dma source(%dma_start3A_37 : memref<1000x16xf32, #tpu.memory_space<vmem_shared>>) target(%dma_start3A_35 : memref<1000x16xf32, #tpu.memory_space<vmem>>) target_semaphore(%run_scoped3A : memref<!tpu.dma_semaphore, #tpu.memory_space<semaphore_mem>>)
        %dma_wait3A = arith.constant 0 : i32
        %dma_wait3A_38 = arith.constant 0 : i32
        %dma_wait3A_39 = tpu.memref_slice %arg8[%dma_wait3A, %dma_wait3A_38] : memref<1024x16xf32, #tpu.memory_space<vmem>> -> memref<1000x16xf32, #tpu.memory_space<vmem>>
        %dma_wait3A_40 = arith.constant 0 : i32
        %dma_wait3A_41 = tpu.memref_slice %arg5[%mul3A_23, %dma_wait3A_40] : memref<10240x16xf32, #tpu.memory_space<vmem_shared>> -> memref<1000x16xf32, #tpu.memory_space<vmem_shared>>
        %dma_wait3A_42 = arith.constant 0 : i32
        %dma_wait3A_43 = arith.constant 0 : i32
        %dma_wait3A_44 = tpu.memref_slice %arg8[%dma_wait3A_42, %dma_wait3A_43] : memref<1024x16xf32, #tpu.memory_space<vmem>> -> memref<1000x16xf32, #tpu.memory_space<vmem>>
        %dma_wait3A_45 = arith.constant 0 : i32
        %dma_wait3A_46 = tpu.memref_slice %arg5[%mul3A_23, %dma_wait3A_45] : memref<10240x16xf32, #tpu.memory_space<vmem_shared>> -> memref<1000x16xf32, #tpu.memory_space<vmem_shared>>
        tpu.wait_dma2 semaphore(%run_scoped3A : memref<!tpu.dma_semaphore, #tpu.memory_space<semaphore_mem>>) src(%dma_wait3A_46 : memref<1000x16xf32, #tpu.memory_space<vmem_shared>>) dst(%dma_wait3A_44 : memref<1000x16xf32, #tpu.memory_space<vmem>>)
        tpu.yield
      }) : () -> ()
      %mul3A_24 = arith.constant 10000 : i32
      %mul3A_25 = arith.muli %arg0, %mul3A_24 : i32
      %mul3A_26 = arith.constant 1000 : i32
      %mul3A_27 = arith.muli %arg1, %mul3A_26 : i32
      %add3A_28 = arith.addi %mul3A_25, %mul3A_27 : i32
      "tpu.region"() ({
        %run_scoped3A = tpu.sem_alloc : memref<!tpu.dma_semaphore, #tpu.memory_space<semaphore_mem>>
        %dma_start3A = arith.constant 0 : i32
        %dma_start3A_29 = arith.constant 0 : i32
        %dma_start3A_30 = tpu.memref_slice %arg8[%dma_start3A, %dma_start3A_29] : memref<1024x16xf32, #tpu.memory_space<vmem>> -> memref<1000x16xf32, #tpu.memory_space<vmem>>
        %dma_start3A_31 = arith.constant 0 : i32
        %dma_start3A_32 = tpu.memref_slice %arg4[%add3A_28, %dma_start3A_31] : memref<20000x16xf32, #tpu.memory_space<hbm>> -> memref<1000x16xf32, #tpu.memory_space<hbm>>
        %dma_start3A_33 = arith.constant 0 : i32
        %dma_start3A_34 = tpu.memref_slice %arg4[%add3A_28, %dma_start3A_33] : memref<20000x16xf32, #tpu.memory_space<hbm>> -> memref<1000x16xf32, #tpu.memory_space<hbm>>
        %dma_start3A_35 = arith.constant 0 : i32
        %dma_start3A_36 = arith.constant 0 : i32
        %dma_start3A_37 = tpu.memref_slice %arg8[%dma_start3A_35, %dma_start3A_36] : memref<1024x16xf32, #tpu.memory_space<vmem>> -> memref<1000x16xf32, #tpu.memory_space<vmem>>
        tpu.enqueue_dma source(%dma_start3A_37 : memref<1000x16xf32, #tpu.memory_space<vmem>>) target(%dma_start3A_34 : memref<1000x16xf32, #tpu.memory_space<hbm>>) target_semaphore(%run_scoped3A : memref<!tpu.dma_semaphore, #tpu.memory_space<semaphore_mem>>)
        %dma_wait3A = arith.constant 0 : i32
        %dma_wait3A_38 = arith.constant 0 : i32
        %dma_wait3A_39 = tpu.memref_slice %arg8[%dma_wait3A, %dma_wait3A_38] : memref<1024x16xf32, #tpu.memory_space<vmem>> -> memref<1000x16xf32, #tpu.memory_space<vmem>>
        %dma_wait3A_40 = arith.constant 0 : i32
        %dma_wait3A_41 = tpu.memref_slice %arg4[%add3A_28, %dma_wait3A_40] : memref<20000x16xf32, #tpu.memory_space<hbm>> -> memref<1000x16xf32, #tpu.memory_space<hbm>>
        %dma_wait3A_42 = arith.constant 0 : i32
        %dma_wait3A_43 = tpu.memref_slice %arg4[%add3A_28, %dma_wait3A_42] : memref<20000x16xf32, #tpu.memory_space<hbm>> -> memref<1000x16xf32, #tpu.memory_space<hbm>>
        %dma_wait3A_44 = arith.constant 0 : i32
        %dma_wait3A_45 = arith.constant 0 : i32
        %dma_wait3A_46 = tpu.memref_slice %arg8[%dma_wait3A_44, %dma_wait3A_45] : memref<1024x16xf32, #tpu.memory_space<vmem>> -> memref<1000x16xf32, #tpu.memory_space<vmem>>
        tpu.wait_dma2 semaphore(%run_scoped3A : memref<!tpu.dma_semaphore, #tpu.memory_space<semaphore_mem>>) src(%dma_wait3A_46 : memref<1000x16xf32, #tpu.memory_space<vmem>>) dst(%dma_wait3A_43 : memref<1000x16xf32, #tpu.memory_space<hbm>>)
        tpu.yield
      }) : () -> ()
    } else {
    }
    return
  }
}

module attributes {stable_mosaic.version = 14 : i64} {
  func.func @_node_proj_body(%arg0: i32, %arg1: memref<2000x128xf32, #tpu.memory_space<vmem>>, %arg2: memref<128x128xf32, #tpu.memory_space<vmem>>, %arg3: memref<128x128xf32, #tpu.memory_space<vmem>>, %arg4: memref<2000x128xf32, #tpu.memory_space<vmem>>, %arg5: memref<2000x128xf32, #tpu.memory_space<vmem>>) attributes {dimension_semantics = [#tpu.dimension_semantics<arbitrary>], iteration_bounds = array<i64: 5>, scalar_prefetch = 0 : i64, scratch_operands = 0 : i64, tpu.core_type = #tpu.core_type<tc>, window_params = [{transform_indices = @transform_0, window_bounds = array<i64: 2000, 128>}, {pipeline_mode = #tpu.pipeline_mode<synchronous>, transform_indices = @transform_1, window_bounds = array<i64: 128, 128>}, {pipeline_mode = #tpu.pipeline_mode<synchronous>, transform_indices = @transform_2, window_bounds = array<i64: 128, 128>}, {transform_indices = @transform_3, window_bounds = array<i64: 2000, 128>}, {transform_indices = @transform_4, window_bounds = array<i64: 2000, 128>}]} {
    %get3A = arith.constant 0 : index
    %get3A_0 = arith.constant 0 : index
    %get3A_1 = vector.load %arg1[%get3A, %get3A_0] : memref<2000x128xf32, #tpu.memory_space<vmem>>, vector<2000x128xf32>
    %get3A_2 = arith.constant 0 : index
    %get3A_3 = arith.constant 0 : index
    %get3A_4 = vector.load %arg2[%get3A_2, %get3A_3] : memref<128x128xf32, #tpu.memory_space<vmem>>, vector<128x128xf32>
    %dot_general3A = arith.constant dense<0.000000e+00> : vector<2000x128xf32>
    %dot_general3A_5 = tpu.matmul %get3A_1, %get3A_4, %dot_general3A {dimension_numbers = #tpu.dot_dimension_numbers<[1], [0], [0], [1], [0, 0, 1, 1], [], []>, transpose_lhs_hint = false} : vector<2000x128xf32>, vector<128x128xf32>, vector<2000x128xf32> -> vector<2000x128xf32>
    %swap3A = arith.constant 0 : index
    %swap3A_6 = arith.constant 0 : index
    %swap3A_7 = vector.load %arg4[%swap3A, %swap3A_6] : memref<2000x128xf32, #tpu.memory_space<vmem>>, vector<2000x128xf32>
    tpu.vector_store %arg4[%swap3A, %swap3A_6], %dot_general3A_5 {strides = array<i32>} : memref<2000x128xf32, #tpu.memory_space<vmem>>, vector<2000x128xf32>,
    %get3A_8 = arith.constant 0 : index
    %get3A_9 = arith.constant 0 : index
    %get3A_10 = vector.load %arg3[%get3A_8, %get3A_9] : memref<128x128xf32, #tpu.memory_space<vmem>>, vector<128x128xf32>
    %dot_general3A_11 = arith.constant dense<0.000000e+00> : vector<2000x128xf32>
    %dot_general3A_12 = tpu.matmul %get3A_1, %get3A_10, %dot_general3A_11 {dimension_numbers = #tpu.dot_dimension_numbers<[1], [0], [0], [1], [0, 0, 1, 1], [], []>, transpose_lhs_hint = false} : vector<2000x128xf32>, vector<128x128xf32>, vector<2000x128xf32> -> vector<2000x128xf32>
    %swap3A_13 = arith.constant 0 : index
    %swap3A_14 = arith.constant 0 : index
    %swap3A_15 = vector.load %arg5[%swap3A_13, %swap3A_14] : memref<2000x128xf32, #tpu.memory_space<vmem>>, vector<2000x128xf32>
    tpu.vector_store %arg5[%swap3A_13, %swap3A_14], %dot_general3A_12 {strides = array<i32>} : memref<2000x128xf32, #tpu.memory_space<vmem>>, vector<2000x128xf32>,
    return
  }
  func.func @transform_0(%arg0: i32) -> (i32, i32) {
    %c0_i32 = arith.constant 0 : i32
    %c0_i32_0 = arith.constant 0 : i32
    return %arg0, %c0_i32 : i32, i32
  }
  func.func @transform_1(%arg0: i32) -> (i32, i32) {
    %c0_i32 = arith.constant 0 : i32
    %c0_i32_0 = arith.constant 0 : i32
    %c0_i32_1 = arith.constant 0 : i32
    return %c0_i32, %c0_i32_0 : i32, i32
  }
  func.func @transform_2(%arg0: i32) -> (i32, i32) {
    %c0_i32 = arith.constant 0 : i32
    %c0_i32_0 = arith.constant 0 : i32
    %c0_i32_1 = arith.constant 0 : i32
    return %c0_i32, %c0_i32_0 : i32, i32
  }
  func.func @transform_3(%arg0: i32) -> (i32, i32) {
    %c0_i32 = arith.constant 0 : i32
    %c0_i32_0 = arith.constant 0 : i32
    return %arg0, %c0_i32 : i32, i32
  }
  func.func @transform_4(%arg0: i32) -> (i32, i32) {
    %c0_i32 = arith.constant 0 : i32
    %c0_i32_0 = arith.constant 0 : i32
    return %arg0, %c0_i32 : i32, i32
  }
}

module attributes {stable_mosaic.version = 14 : i64} {
  func.func @_edge_mlp_body(%arg0: i32, %arg1: memref<2048x128xf32, #tpu.memory_space<vmem>>, %arg2: memref<2048x128xf32, #tpu.memory_space<vmem>>, %arg3: memref<2048x16xf32, #tpu.memory_space<vmem>>, %arg4: memref<16x128xf32, #tpu.memory_space<vmem>>, %arg5: memref<1x128xf32, #tpu.memory_space<vmem>>, %arg6: memref<128x16xf32, #tpu.memory_space<vmem>>, %arg7: memref<1x16xf32, #tpu.memory_space<vmem>>, %arg8: memref<2048x16xf32, #tpu.memory_space<vmem>>) attributes {dimension_semantics = [#tpu.dimension_semantics<arbitrary>], iteration_bounds = array<i64: 160>, scalar_prefetch = 0 : i64, scratch_operands = 0 : i64, tpu.core_type = #tpu.core_type<tc>, window_params = [{transform_indices = @transform_0, window_bounds = array<i64: 2048, 128>}, {transform_indices = @transform_1, window_bounds = array<i64: 2048, 128>}, {transform_indices = @transform_2, window_bounds = array<i64: 2048, 16>}, {pipeline_mode = #tpu.pipeline_mode<synchronous>, transform_indices = @transform_3, window_bounds = array<i64: 16, 128>}, {pipeline_mode = #tpu.pipeline_mode<synchronous>, transform_indices = @transform_4, window_bounds = array<i64: 1, 128>}, {pipeline_mode = #tpu.pipeline_mode<synchronous>, transform_indices = @transform_5, window_bounds = array<i64: 128, 16>}, {pipeline_mode = #tpu.pipeline_mode<synchronous>, transform_indices = @transform_6, window_bounds = array<i64: 1, 16>}, {transform_indices = @transform_7, window_bounds = array<i64: 2048, 16>}]} {
    %get3A = arith.constant 0 : index
    %get3A_0 = arith.constant 0 : index
    %get3A_1 = vector.load %arg1[%get3A, %get3A_0] : memref<2048x128xf32, #tpu.memory_space<vmem>>, vector<2048x128xf32>
    %get3A_2 = arith.constant 0 : index
    %get3A_3 = arith.constant 0 : index
    %get3A_4 = vector.load %arg2[%get3A_2, %get3A_3] : memref<2048x128xf32, #tpu.memory_space<vmem>>, vector<2048x128xf32>
    %add3A = arith.addf %get3A_1, %get3A_4 : vector<2048x128xf32>
    %get3A_5 = arith.constant 0 : index
    %get3A_6 = arith.constant 0 : index
    %get3A_7 = vector.load %arg3[%get3A_5, %get3A_6] : memref<2048x16xf32, #tpu.memory_space<vmem>>, vector<2048x16xf32>
    %get3A_8 = arith.constant 0 : index
    %get3A_9 = arith.constant 0 : index
    %get3A_10 = vector.load %arg4[%get3A_8, %get3A_9] : memref<16x128xf32, #tpu.memory_space<vmem>>, vector<16x128xf32>
    %dot_general3A = arith.constant dense<0.000000e+00> : vector<2048x128xf32>
    %dot_general3A_11 = tpu.matmul %get3A_7, %get3A_10, %dot_general3A {dimension_numbers = #tpu.dot_dimension_numbers<[1], [0], [0], [1], [0, 0, 1, 1], [], []>, transpose_lhs_hint = false} : vector<2048x16xf32>, vector<16x128xf32>, vector<2048x128xf32> -> vector<2048x128xf32>
    %add3A_12 = arith.addf %add3A, %dot_general3A_11 : vector<2048x128xf32>
    %get3A_13 = arith.constant 0 : index
    %get3A_14 = arith.constant 0 : index
    %get3A_15 = vector.load %arg5[%get3A_13, %get3A_14] : memref<1x128xf32, #tpu.memory_space<vmem>>, vector<1x128xf32>
    %add3A_16 = vector.broadcast %get3A_15 : vector<1x128xf32> to vector<2048x128xf32>
    %add3A_17 = arith.addf %add3A_12, %add3A_16 : vector<2048x128xf32>
    %max3A = arith.constant 0.000000e+00 : f32
    %max3A_18 = vector.broadcast %max3A : f32 to vector<2048x128xf32>
    %max3A_19 = arith.maximumf %add3A_17, %max3A_18 : vector<2048x128xf32>
    %get3A_20 = arith.constant 0 : index
    %get3A_21 = arith.constant 0 : index
    %get3A_22 = vector.load %arg6[%get3A_20, %get3A_21] : memref<128x16xf32, #tpu.memory_space<vmem>>, vector<128x16xf32>
    %dot_general3A_23 = arith.constant dense<0.000000e+00> : vector<2048x16xf32>
    %dot_general3A_24 = tpu.matmul %max3A_19, %get3A_22, %dot_general3A_23 {dimension_numbers = #tpu.dot_dimension_numbers<[1], [0], [0], [1], [0, 0, 1, 1], [], []>, transpose_lhs_hint = false} : vector<2048x128xf32>, vector<128x16xf32>, vector<2048x16xf32> -> vector<2048x16xf32>
    %get3A_25 = arith.constant 0 : index
    %get3A_26 = arith.constant 0 : index
    %get3A_27 = vector.load %arg7[%get3A_25, %get3A_26] : memref<1x16xf32, #tpu.memory_space<vmem>>, vector<1x16xf32>
    %add3A_28 = vector.broadcast %get3A_27 : vector<1x16xf32> to vector<2048x16xf32>
    %add3A_29 = arith.addf %dot_general3A_24, %add3A_28 : vector<2048x16xf32>
    %swap3A = arith.constant 0 : index
    %swap3A_30 = arith.constant 0 : index
    %swap3A_31 = vector.load %arg8[%swap3A, %swap3A_30] : memref<2048x16xf32, #tpu.memory_space<vmem>>, vector<2048x16xf32>
    tpu.vector_store %arg8[%swap3A, %swap3A_30], %add3A_29 {strides = array<i32>} : memref<2048x16xf32, #tpu.memory_space<vmem>>, vector<2048x16xf32>,
    return
  }
  func.func @transform_0(%arg0: i32) -> (i32, i32) {
    %c0_i32 = arith.constant 0 : i32
    %c0_i32_0 = arith.constant 0 : i32
    return %arg0, %c0_i32 : i32, i32
  }
  func.func @transform_1(%arg0: i32) -> (i32, i32) {
    %c0_i32 = arith.constant 0 : i32
    %c0_i32_0 = arith.constant 0 : i32
    return %arg0, %c0_i32 : i32, i32
  }
  func.func @transform_2(%arg0: i32) -> (i32, i32) {
    %c0_i32 = arith.constant 0 : i32
    %c0_i32_0 = arith.constant 0 : i32
    return %arg0, %c0_i32 : i32, i32
  }
  func.func @transform_3(%arg0: i32) -> (i32, i32) {
    %c0_i32 = arith.constant 0 : i32
    %c0_i32_0 = arith.constant 0 : i32
    %c0_i32_1 = arith.constant 0 : i32
    return %c0_i32, %c0_i32_0 : i32, i32
  }
  func.func @transform_4(%arg0: i32) -> (i32, i32) {
    %c0_i32 = arith.constant 0 : i32
    %c0_i32_0 = arith.constant 0 : i32
    %c0_i32_1 = arith.constant 0 : i32
    return %c0_i32, %c0_i32_0 : i32, i32
  }
  func.func @transform_5(%arg0: i32) -> (i32, i32) {
    %c0_i32 = arith.constant 0 : i32
    %c0_i32_0 = arith.constant 0 : i32
    %c0_i32_1 = arith.constant 0 : i32
    return %c0_i32, %c0_i32_0 : i32, i32
  }
  func.func @transform_6(%arg0: i32) -> (i32, i32) {
    %c0_i32 = arith.constant 0 : i32
    %c0_i32_0 = arith.constant 0 : i32
    %c0_i32_1 = arith.constant 0 : i32
    return %c0_i32, %c0_i32_0 : i32, i32
  }
  func.func @transform_7(%arg0: i32) -> (i32, i32) {
    %c0_i32 = arith.constant 0 : i32
    %c0_i32_0 = arith.constant 0 : i32
    return %arg0, %c0_i32 : i32, i32
  }
}

module attributes {stable_mosaic.version = 14 : i64} {
  func.func @_node_mlp_body(%arg0: i32, %arg1: memref<2000x128xf32, #tpu.memory_space<vmem>>, %arg2: memref<2000x16xf32, #tpu.memory_space<vmem>>, %arg3: memref<2000x16xf32, #tpu.memory_space<vmem>>, %arg4: memref<128x128xf32, #tpu.memory_space<vmem>>, %arg5: memref<16x128xf32, #tpu.memory_space<vmem>>, %arg6: memref<1x128xf32, #tpu.memory_space<vmem>>, %arg7: memref<128x128xf32, #tpu.memory_space<vmem>>, %arg8: memref<1x128xf32, #tpu.memory_space<vmem>>, %arg9: memref<2000x128xf32, #tpu.memory_space<vmem>>) attributes {dimension_semantics = [#tpu.dimension_semantics<arbitrary>], iteration_bounds = array<i64: 5>, scalar_prefetch = 0 : i64, scratch_operands = 0 : i64, tpu.core_type = #tpu.core_type<tc>, window_params = [{transform_indices = @transform_0, window_bounds = array<i64: 2000, 128>}, {transform_indices = @transform_1, window_bounds = array<i64: 2000, 16>}, {transform_indices = @transform_2, window_bounds = array<i64: 2000, 16>}, {pipeline_mode = #tpu.pipeline_mode<synchronous>, transform_indices = @transform_3, window_bounds = array<i64: 128, 128>}, {pipeline_mode = #tpu.pipeline_mode<synchronous>, transform_indices = @transform_4, window_bounds = array<i64: 16, 128>}, {pipeline_mode = #tpu.pipeline_mode<synchronous>, transform_indices = @transform_5, window_bounds = array<i64: 1, 128>}, {pipeline_mode = #tpu.pipeline_mode<synchronous>, transform_indices = @transform_6, window_bounds = array<i64: 128, 128>}, {pipeline_mode = #tpu.pipeline_mode<synchronous>, transform_indices = @transform_7, window_bounds = array<i64: 1, 128>}, {transform_indices = @transform_8, window_bounds = array<i64: 2000, 128>}]} {
    %get3A = arith.constant 0 : index
    %get3A_0 = arith.constant 0 : index
    %get3A_1 = vector.load %arg2[%get3A, %get3A_0] : memref<2000x16xf32, #tpu.memory_space<vmem>>, vector<2000x16xf32>
    %get3A_2 = arith.constant 0 : index
    %get3A_3 = arith.constant 0 : index
    %get3A_4 = vector.load %arg3[%get3A_2, %get3A_3] : memref<2000x16xf32, #tpu.memory_space<vmem>>, vector<2000x16xf32>
    %add3A = arith.addf %get3A_1, %get3A_4 : vector<2000x16xf32>
    %get3A_5 = arith.constant 0 : index
    %get3A_6 = arith.constant 0 : index
    %get3A_7 = vector.load %arg1[%get3A_5, %get3A_6] : memref<2000x128xf32, #tpu.memory_space<vmem>>, vector<2000x128xf32>
    %get3A_8 = arith.constant 0 : index
    %get3A_9 = arith.constant 0 : index
    %get3A_10 = vector.load %arg4[%get3A_8, %get3A_9] : memref<128x128xf32, #tpu.memory_space<vmem>>, vector<128x128xf32>
    %dot_general3A = arith.constant dense<0.000000e+00> : vector<2000x128xf32>
    %dot_general3A_11 = tpu.matmul %get3A_7, %get3A_10, %dot_general3A {dimension_numbers = #tpu.dot_dimension_numbers<[1], [0], [0], [1], [0, 0, 1, 1], [], []>, transpose_lhs_hint = false} : vector<2000x128xf32>, vector<128x128xf32>, vector<2000x128xf32> -> vector<2000x128xf32>
    %get3A_12 = arith.constant 0 : index
    %get3A_13 = arith.constant 0 : index
    %get3A_14 = vector.load %arg5[%get3A_12, %get3A_13] : memref<16x128xf32, #tpu.memory_space<vmem>>, vector<16x128xf32>
    %dot_general3A_15 = arith.constant dense<0.000000e+00> : vector<2000x128xf32>
    %dot_general3A_16 = tpu.matmul %add3A, %get3A_14, %dot_general3A_15 {dimension_numbers = #tpu.dot_dimension_numbers<[1], [0], [0], [1], [0, 0, 1, 1], [], []>, transpose_lhs_hint = false} : vector<2000x16xf32>, vector<16x128xf32>, vector<2000x128xf32> -> vector<2000x128xf32>
    %add3A_17 = arith.addf %dot_general3A_11, %dot_general3A_16 : vector<2000x128xf32>
    %get3A_18 = arith.constant 0 : index
    %get3A_19 = arith.constant 0 : index
    %get3A_20 = vector.load %arg6[%get3A_18, %get3A_19] : memref<1x128xf32, #tpu.memory_space<vmem>>, vector<1x128xf32>
    %add3A_21 = vector.broadcast %get3A_20 : vector<1x128xf32> to vector<2000x128xf32>
    %add3A_22 = arith.addf %add3A_17, %add3A_21 : vector<2000x128xf32>
    %max3A = arith.constant 0.000000e+00 : f32
    %max3A_23 = vector.broadcast %max3A : f32 to vector<2000x128xf32>
    %max3A_24 = arith.maximumf %add3A_22, %max3A_23 : vector<2000x128xf32>
    %get3A_25 = arith.constant 0 : index
    %get3A_26 = arith.constant 0 : index
    %get3A_27 = vector.load %arg7[%get3A_25, %get3A_26] : memref<128x128xf32, #tpu.memory_space<vmem>>, vector<128x128xf32>
    %dot_general3A_28 = arith.constant dense<0.000000e+00> : vector<2000x128xf32>
    %dot_general3A_29 = tpu.matmul %max3A_24, %get3A_27, %dot_general3A_28 {dimension_numbers = #tpu.dot_dimension_numbers<[1], [0], [0], [1], [0, 0, 1, 1], [], []>, transpose_lhs_hint = false} : vector<2000x128xf32>, vector<128x128xf32>, vector<2000x128xf32> -> vector<2000x128xf32>
    %get3A_30 = arith.constant 0 : index
    %get3A_31 = arith.constant 0 : index
    %get3A_32 = vector.load %arg8[%get3A_30, %get3A_31] : memref<1x128xf32, #tpu.memory_space<vmem>>, vector<1x128xf32>
    %add3A_33 = vector.broadcast %get3A_32 : vector<1x128xf32> to vector<2000x128xf32>
    %add3A_34 = arith.addf %dot_general3A_29, %add3A_33 : vector<2000x128xf32>
    %swap3A = arith.constant 0 : index
    %swap3A_35 = arith.constant 0 : index
    %swap3A_36 = vector.load %arg9[%swap3A, %swap3A_35] : memref<2000x128xf32, #tpu.memory_space<vmem>>, vector<2000x128xf32>
    tpu.vector_store %arg9[%swap3A, %swap3A_35], %add3A_34 {strides = array<i32>} : memref<2000x128xf32, #tpu.memory_space<vmem>>, vector<2000x128xf32>,
    return
  }
  func.func @transform_0(%arg0: i32) -> (i32, i32) {
    %c0_i32 = arith.constant 0 : i32
    %c0_i32_0 = arith.constant 0 : i32
    return %arg0, %c0_i32 : i32, i32
  }
  func.func @transform_1(%arg0: i32) -> (i32, i32) {
    %c0_i32 = arith.constant 0 : i32
    %c0_i32_0 = arith.constant 0 : i32
    return %arg0, %c0_i32 : i32, i32
  }
  func.func @transform_2(%arg0: i32) -> (i32, i32) {
    %add3A = arith.constant 5 : i32
    %add3A_0 = arith.addi %arg0, %add3A : i32
    %c0_i32 = arith.constant 0 : i32
    %c0_i32_1 = arith.constant 0 : i32
    return %add3A_0, %c0_i32 : i32, i32
  }
  func.func @transform_3(%arg0: i32) -> (i32, i32) {
    %c0_i32 = arith.constant 0 : i32
    %c0_i32_0 = arith.constant 0 : i32
    %c0_i32_1 = arith.constant 0 : i32
    return %c0_i32, %c0_i32_0 : i32, i32
  }
  func.func @transform_4(%arg0: i32) -> (i32, i32) {
    %c0_i32 = arith.constant 0 : i32
    %c0_i32_0 = arith.constant 0 : i32
    %c0_i32_1 = arith.constant 0 : i32
    return %c0_i32, %c0_i32_0 : i32, i32
  }
  func.func @transform_5(%arg0: i32) -> (i32, i32) {
    %c0_i32 = arith.constant 0 : i32
    %c0_i32_0 = arith.constant 0 : i32
    %c0_i32_1 = arith.constant 0 : i32
    return %c0_i32, %c0_i32_0 : i32, i32
  }
  func.func @transform_6(%arg0: i32) -> (i32, i32) {
    %c0_i32 = arith.constant 0 : i32
    %c0_i32_0 = arith.constant 0 : i32
    %c0_i32_1 = arith.constant 0 : i32
    return %c0_i32, %c0_i32_0 : i32, i32
  }
  func.func @transform_7(%arg0: i32) -> (i32, i32) {
    %c0_i32 = arith.constant 0 : i32
    %c0_i32_0 = arith.constant 0 : i32
    %c0_i32_1 = arith.constant 0 : i32
    return %c0_i32, %c0_i32_0 : i32, i32
  }
  func.func @transform_8(%arg0: i32) -> (i32, i32) {
    %c0_i32 = arith.constant 0 : i32
    %c0_i32_0 = arith.constant 0 : i32
    return %arg0, %c0_i32 : i32, i32
  }
}

</mosaic_0001>

<sc_bundles>
// kernel: kernel.10.cloned.1.call-start
scs
__scs_entry_jumppad:
0x0: {  	(pc) =	sbr.rel $0x88, $3  }
0x1: {  	(tag) =	ssettag $0x0;
	lr =	simm.s32 $0x1  }
0x2: {  	[smem:$0x3F96] =	sst lr;
	_ =	strace $0xD0000000  }
0x3: {  	_ = 	snop  }
0x4: {  	_ = 	snop  }
0x5: {  	_ = 	snop  }
0x6: {  	_ = 	snop  }
0x7: {  	_ = 	snop  }
__scs_overlays_trampoline_lowered:
0x8: {  	[smem:$0x3FA5] =	sst s0  }
0x9: {  	[smem:$0x3FA6] =	sst s1  }
0xa: {  	[smem:$0x3FA7] =	sst s2  }
0xb: {  	[smem:$0x3FA8] =	sst s3  }
0xc: {  	[smem:$0x3FA9] =	sst s4  }
0xd: {  	[smem:$0x3FAA] =	sst s5  }
0xe: {  	[smem:$0x3FAB] =	sst s6  }
0xf: {  	[smem:$0x3FAC] =	sst s7  }
0x10: {  	[smem:$0x3FAD] =	sst s8  }
0x11: {  	[smem:$0x3FAE] =	sst s9;
	s0 =	simm.s32 @!p0 $0x0  }
0x12: {  	s1 =	sld [smem:$0x3F94];
	s0 =	simm.s32 @p0 $0x1  }
0x13: {  	[smem:$0x3FAF] =	sst s0;
	s0 =	simm.s32 @!p1 $0x0  }
0x14: {  	s2 =	sld [smem:$0x3F93];
	s0 =	simm.s32 @p1 $0x1  }
0x15: {  	[smem:$0x3FB0] =	sst s0;
	s0 =	simm.s32 @!p2 $0x0  }
0x16: {  	s3 =	sld [smem:$0x3FDB];
	s0 =	simm.s32 @p2 $0x1  }
0x17: {  	s4 =	simm.s32 $0x1BF5;
	[smem:$0x3FB2] =	sst s0  }
0x18: {  	s0 =	sld [smem:$0x3F95];
	_ =	swait.ge [sflag:s4], $0x0  }
0x19: {  	s7 =	sld [smem:$0x3F96]  }
0x1a: {  	s8 =	sadd.s32 $0xFFFFE003, lr  }
0x1b: {  	s9 =	sadd.s32 $0xFFFFFEF7, lr;
	s5 =	simm.s32 $0xFFFFFFFF;
	p2 =	slt.u32 s8, $0xFFFFF086  }
0x1c: {  	p1 =	slt.u32 s9, $0xF7A;
	s5 =	simm.s32 @!p2 $0x0  }
0x1d: {  	s5 =	simm.s32 @p1 $0x1;
	p0 =	seq.s32 s7, s2  }
0x1e: {  	s7 =	smul.u32 @!p0 $0xF7A, s2;
	p2 =	seq.s32 @!p0 s5, $0x0  }
0x1f: {  	s9 =	smul.u32 $0xF7A, s1;
	s8 =	simm.s32 @!p0 $0x1BF5;
	p2 =	por !p2, p0  }
0x20: {  	[sflag:s8] =	ssyncset.s32 @!p0 $0xFFFFF086;
	s6 =	sadd.s32 @!p0 s3, s7;
	s7 =	simm.s32 @!p0 $0x108  }
0x21: {  	s3 =	sadd.s32 s3, s9;
	s6 =	sadd.s32 @!p0 $0x88, s6;
	s7 =	simm.s32 @p2 $0x1082  }
0x22: {  	[simem:s7], [sflag:s8] =	dma.local @!p0 [hbm:s6], $0xF7A  }
0x23: {  	s9 =	sor.u32 $0xD0000000, s2;
	s6 =	simm.s32 $0x108;
	_ =	swait.ge @!p0 [sflag:s8], $0x0  }
0x24: {  	s3 =	sadd.s32 $0x88, s3;
	s6 =	simm.s32 @!p1 $0x1082;
	[sflag:s4] =	ssyncset.s32 $0xFFFFF086  }
0x25: {  	[simem:s6], [sflag:s4] =	dma.local [hbm:s3], $0xF7A  }
0x26: {  	[smem:$0x3F96] =	sst s1;
	(tag) =	ssettag s2;
	_ =	strace s9  }
0x27: {  	s1 =	sld [smem:$0x3FA6]  }
0x28: {  	s2 =	sld [smem:$0x3FA7]  }
0x29: {  	s4 =	sld [smem:$0x3FA9]  }
0x2a: {  	p0 =	seq.s32 s5, $0x0;
	s5 =	sld [smem:$0x3FAA]  }
0x2b: {  	s6 =	sld [smem:$0x3FAB]  }
0x2c: {  	s7 =	sld [smem:$0x3FAC]  }
0x2d: {  	s3 =	simm.s32 $0x108;
	s8 =	sld [smem:$0x3FAD]  }
0x2e: {  	s3 =	simm.s32 @!p0 $0x1082;
	s9 =	sld [smem:$0x3FAE]  }
0x2f: {  	lr =	sadd.s32 s0, s3;
	s0 =	sld [smem:$0x3FA5]  }
0x30: {  	s3 =	sld [smem:$0x3FA8]  }
0x31: {  	[smem:$0x3FB1] =	sst s10  }
0x32: {  	s10 =	sld [smem:$0x3FAF];
	_ =	sdelay $0x3  }
0x33: {  	p0 =	seq.s32 s10, $0x1;
	s10 =	sld [smem:$0x3FB1];
	_ =	sdelay $0x3  }
0x34: {  	[smem:$0x3FB1] =	sst s10  }
0x35: {  	s10 =	sld [smem:$0x3FB0];
	_ =	sdelay $0x3  }
0x36: {  	p1 =	seq.s32 s10, $0x1;
	s10 =	sld [smem:$0x3FB1];
	_ =	sdelay $0x3  }
0x37: {  	[smem:$0x3FB1] =	sst s10  }
0x38: {  	s10 =	sld [smem:$0x3FB2]  }
0x39: {  	_ = 	snop;
	(pc) =	sbr.ind lr, $3  }
0x3a: {  	_ = 	snop  }
0x3b: {  	_ = 	snop  }
0x3c: {  	p2 =	seq.s32 s10, $0x1;
	s10 =	sld [smem:$0x3FB1]  }
0x3d: {  	_ =	shalt  }
0x3e: {  	_ =	shalt  }
0x3f: {  	_ =	shalt  }
0x40: {  	_ =	shalt  }
0x41: {  	_ =	shalt  }
0x42: {  	_ =	shalt  }
0x43: {  	_ =	shalt  }
0x44: {  	_ =	shalt  }
0x45: {  	_ =	shalt  }
0x46: {  	_ =	shalt  }
0x47: {  	_ =	shalt  }
0x48: {  	_ =	shalt  }
0x49: {  	_ =	shalt  }
0x4a: {  	_ =	shalt  }
0x4b: {  	_ =	shalt  }
0x4c: {  	_ =	shalt  }
0x4d: {  	_ =	shalt  }
0x4e: {  	_ =	shalt  }
0x4f: {  	_ =	shalt  }
0x50: {  	_ =	shalt  }
0x51: {  	_ =	shalt  }
0x52: {  	_ =	shalt  }
0x53: {  	_ =	shalt  }
0x54: {  	_ =	shalt  }
0x55: {  	_ =	shalt  }
0x56: {  	_ =	shalt  }
0x57: {  	_ =	shalt  }
0x58: {  	_ =	shalt  }
0x59: {  	_ =	shalt  }
0x5a: {  	_ =	shalt  }
0x5b: {  	_ =	shalt  }
0x5c: {  	_ =	shalt  }
0x5d: {  	_ =	shalt  }
0x5e: {  	_ =	shalt  }
0x5f: {  	_ =	shalt  }
0x60: {  	_ =	shalt  }
0x61: {  	_ =	shalt  }
0x62: {  	_ =	shalt  }
0x63: {  	_ =	shalt  }
0x64: {  	_ =	shalt  }
0x65: {  	_ =	shalt  }
0x66: {  	_ =	shalt  }
0x67: {  	_ =	shalt  }
0x68: {  	_ =	shalt  }
0x69: {  	_ =	shalt  }
0x6a: {  	_ =	shalt  }
0x6b: {  	_ =	shalt  }
0x6c: {  	_ =	shalt  }
0x6d: {  	_ =	shalt  }
0x6e: {  	_ =	shalt  }
0x6f: {  	_ =	shalt  }
0x70: {  	_ =	shalt  }
0x71: {  	_ =	shalt  }
0x72: {  	_ =	shalt  }
0x73: {  	_ =	shalt  }
0x74: {  	_ =	shalt  }
0x75: {  	_ =	shalt  }
0x76: {  	_ =	shalt  }
0x77: {  	_ =	shalt  }
0x78: {  	_ =	shalt  }
0x79: {  	_ =	shalt  }
0x7a: {  	_ =	shalt  }
0x7b: {  	_ =	shalt  }
0x7c: {  	_ =	shalt  }
0x7d: {  	_ =	shalt  }
0x7e: {  	_ =	shalt  }
0x7f: {  	_ =	shalt  }
0x80: {  	_ =	shalt  }
0x81: {  	_ =	shalt  }
0x82: {  	_ =	shalt  }
0x83: {  	_ =	shalt  }
0x84: {  	_ =	shalt  }
0x85: {  	_ =	shalt  }
0x86: {  	_ =	shalt  }
0x87: {  	_ =	shalt  }
.Lfunc_end0:
.L_simem_size_0:
called_computation.1_lowered:
.L_overlay_start_0:
0x88: {  	s2 =	sld [smem:$0x3FD9]  }
0x89: {  	s3 =	sld [smem:$0x3FFE];
	_ =	sdelay $0x1  }
0x8a: {  	s1 =	srdreg.scid  }
0x8b: {  	s0 =	sand.u32 $0x1, s1  }
0x8c: {  	s14 =	sshll.u32 s0, $0xA;
	s2 =	sadd.s32 s3, s2  }
0x8d: {  	s2 =	sadd.s32 s2, s14  }
0x8e: {  	[smem:$0x3FBD] =	sst s2  }
0x8f: {  	_ = 	snop  }
0x90: {  	s2 =	sld [smem:$0x3FD0];
	_ =	sdelay $0x2  }
0x91: {  	s15 =	simm.s32 $0xA;
	s4 =	simm.s32 $0x10  }
0x92: {  	[smem:s4], [sflag:s15] =	dma.local [hbm:s2], $0x1  }
0x93: {  	_ =	swait.eq [sflag:s15], $0x1  }
0x94: {  	[sflag:s15] =	ssyncset.done $0x0  }
0x95: {  	[sflag:s15] =	ssyncadd.s32 $0xFFFFFFFF  }
0x96: {  	s16 =	sld [smem:$0x10];
	(tm) =	ssettm $0x1  }
0x97: {  	s17 =	sld [smem:$0x3FFB];
	_ =	sdelay $0x3  }
0x98: {  	_ =	strace s17  }
0x99: {  	s3 =	sld [smem:$0x3FFC];
	_ =	sdelay $0x3  }
0x9a: {  	_ =	strace s3  }
0x9b: {  	s3 =	sld [smem:$0x3FFD];
	_ =	sdelay $0x3  }
0x9c: {  	_ =	strace s3  }
0x9d: {  	_ =	strace $0x8FFFFFFF  }
0x9e: {  	s18 =	sld [smem:$0x3FDB];
	_ =	sdelay $0x1  }
0x9f: {  	s19 =	simm.s32 $_scs_section_size  }
0xa0: {  	s5 =	simm.s32 $_size__tile_overlayer_lowered;
	s6 =	simm.s32 $_tile_overlayer_lowered  }
0xa1: {  	s22 =	simm.s32 $0x1BFF;
	s21 =	sshll.u32 s6, $0x1;
	s3 =	sadd.s32 s19, s18  }
0xa2: {  	s7 =	simm.s32 $0x0;
	s20 =	sshll.u32 s5, $0x1;
	s5 =	sadd.s32 s21, s3  }
0xa3: {  	[timem:s7], [sflag:s22] =	dma.local [hbm:s5], s20  }
0xa4: {  	_ =	swait.ge [sflag:s22], s20  }
0xa5: {  	s4 =	ssub.s32 $0x0, s20;
	[sflag:s22] =	ssyncset.done $0x0  }
0xa6: {  	[sflag:s22] =	ssyncadd.s32 s4;
	_ =	sdelay $0x1  }
0xa7: {  	s23 =	simm.s32 $0x1B8B  }
0xa8: {  	_ =	swait.ge [sflag:s23], $0x1  }
0xa9: {  	[sflag:s23] =	ssyncset.done $0x0  }
0xaa: {  	s25 =	simm.s32 $0x1B8E;
	s24 =	sld [smem:$0x3FFE];
	[sflag:s23] =	ssyncadd.s32 $0xFFFFFFFF  }
0xab: {  	s26 =	simm.s32 $execute0_lowered;
	[smem:$0x3FD2] =	sst s25  }
0xac: {  	s5 =	sshll.u32 s26, $0x1;
	_ =	strace $0x80000049;
	[dreg:$0x1] =	wrdreg $0xFFFFFFFF  }
0xad: {  	s28 =	simm.s32 $_size_execute0_lowered;
	s3 =	sadd.s32 s3, s5;
	[dreg:$0x0] =	wrdreg $0x0  }
0xae: {  	s5 =	sshll.u32 s28, $0x1;
	[dreg:$0x2] =	wrdreg s3  }
0xaf: {  	[dreg:$0x3] =	wrdreg s5  }
0xb0: {  	[dreg:$0x4] =	wrdreg $0xC0  }
0xb1: {  	_ =	task [dreg:s7], $0x5FFFF  }
0xb2: {  	[dreg:$0x1] =	wrdreg $0xFFFFFFFF  }
0xb3: {  	[dreg:$0x0] =	wrdreg $0x60  }
0xb4: {  	[dreg:$0x2] =	wrdreg s24  }
0xb5: {  	[dreg:$0x3] =	wrdreg s16  }
0xb6: {  	[dreg:$0x4] =	wrdreg $0x0  }
0xb7: {  	[dreg:$0x5] =	wrdreg $0x9  }
0xb8: {  	_ =	task.clear_ibuf [dreg:s7], $0x6FFFF;
	_ =	strace $0x90000049  }
0xb9: {  	s29 =	simm.s32 $0x9;
	_ =	strace $0x8000004B  }
0xba: {  	_ =	swait.ge [sflag:s29], $0x1  }
0xbb: {  	[sflag:s29] =	ssyncadd.s32 $0xFFFFFFFF  }
0xbc: {  	_ =	strace $0x9000004B  }
0xbd: {  	_ =	sfence  }
0xbe: {  	s30 =	sld [smem:$0x0];
	_ =	sdelay $0x2  }
0xbf: {  	s31 =	sshll.u32 s1, $0xD;
	s1 =	sshrl.u32 s1, $0x2  }
0xc0: {  	s3 =	sand.u32 $0x4000, s31;
	s1 =	sadd.s32 s1, s30  }
0xc1: {  	s0 =	sor.u32 s3, s0;
	s1 =	sshll.u32 s1, $0x11  }
0xc2: {  	s0 =	sor.u32 s1, s0  }
0xc3: {  	s0 =	sadd.s32 $0x8F2B, s0  }
0xc4: {  	[sflag:s0] =	ssyncadd.remote.s32 $0x1  }
0xc5: {  	_ =	sfence.sel $0xFFFF  }
0xc6: {  	[dreg:$0x0] =	wrdreg $0xFFFFFFFF;
	(pc) =	sbr.abs _section_cstart, $3  }
0xc7: {  	[dreg:$0x1] =	wrdreg $0xFFFFFFFF  }
0xc8: {  	_ =	task.clear_ibuf [dreg:s7], $0x2FFFF;
	_ =	strace $0x9FFFFFFF  }
0xc9: {  	(tm) =	ssettm $0x7FFFFFFF  }
tec
execute0_lowered:
.L_overlay_start_1:
0x0: {  	(tag) =	ssettag $0x1  }
0x1: {  	s4 =	rddreg [dreg:$0x0]  }
0x2: {  	s7 =	rddreg [dreg:$0x1]  }
0x3: {  	s2 =	rddreg [dreg:$0x2];
	s1 =	stileid.u32  }
0x4: {  	s3 =	srdreg.scid;
	s8 =	smul.u32 $0xA000, s1  }
0x5: {  	s0 =	rddreg [dreg:$0x3];
	s5 =	sand.u32 $0x1, s3;
	s10 =	smul.u32 $0xFA00, s1  }
0x6: {  	s6 =	sshll.u32 s1, $0x1;
	s3 =	simm.s32 $0x0;
	s12 =	smul.u32 $0x7D0, s1  }
0x7: {  	s30 =	sshll.u32 s1, $0xE;
	p0 =	sgt.u32 s1, $0x9;
	s11 =	smul.u32 $0x4E20, s5  }
0x8: {  	s6 =	sor.u32 s5, s6;
	[smem:$0x7FF] =	sst s3;
	s13 =	smul.u32 $0x5000, s5  }
0x9: {  	s28 =	ssub.s32 $0x2, s5;
	s6 =	smul.u32 $0x2800, s6;
	_ =	strace $0x8000004A  }
0xa: {  	s9 =	sadd.s32 s8, s4;
	s29 =	sshrl.u32 s28, $0x1;
	s10 =	sshrl.u32 s10, $0x2  }
0xb: {  	s8 =	ssub.s32 s28, s29;
	s31 =	sadd.s32 s12, s11;
	s9 =	sadd.s32 s13, s9  }
0xc: {  	s11 =	simm.s32 $0x5000;
	s12 =	simm.s32 $0x80;
	s13 =	simm.s32 $0x0  }
0xd: {  	s6 =	sshrl.u32 s6, $0x3;
	s7 =	sadd.s32 s7, s31;
	s8 =	smax.u32 s8, $0x1  }
0xe: {  	s9 =	sadd.s32 $0x17A00, s9;
	s6 =	sadd.s32 s6, s4;
	s4 =	sadd.s32 s30, s2  }
0xf: {  	v0 =	vimm.f32 $0.0e+00;
	s5 =	sadd.s32 $0xDA00, s6;
	s6 =	sadd.s32 s10, s2;
	s10 =	simm.s32 $0x1  }
.LBB2_1:
0x10: {  	s14 =	simm.s32 $0x40;
	s15 =	simm.s32 $0x0  }
.LBB2_2:
0x11: {  	p1 =	sne.s32 s14, $0xFFC0;
	[tilespmem:s15+$0x5800] =	vst v0;
	s15 =	smov.u32 s14;
	s14 =	sadd.s32 $0x40, s14  }
.Ltmp0:
0x12: {  	(pc) =	sbr.rel @p1 .LBB2_2-.Ltmp0, $2  }
0x13: {  	_ =	sdelay $0x2  }
0x14: {  	s15 =	sshra.s32 s15, $0x2  }
0x15: {  	[tilespmem:s15+$0x5800] =	vst v0;
	s14 =	simm.s32 @!p0 $0x5800  }
0x16: {  	[spmem:s4] =	stream.linear.scatter @!p0 [tilespmem:s14], [sflag:$0x1], $0x4000, $0x38;
	[tilespmem:$0x9800] =	vst v63  }
0x17: {  	s14 =	simm.s32 @!p0 $0x1  }
0x18: {  	_ =	swait.ge @!p0 [sflag:s14], $0x4000  }
0x19: {  	[sflag:s14] =	ssyncset.done @!p0 $0x0  }
0x1a: {  	[sflag:s14] =	ssyncadd.s32 @!p0 $0xFFFFC000  }
0x1b: {  	s29 =	simm.s32 $0x0;
	s30 =	simm.s32 $0x2800;
	[bflag:$0x0] =	sbarrier.arrive $0xFFFF  }
0x1c: {  	[tilespmem:s30], [sflag:$0x1] =	stream.linear.gather [hbm4b:s5+s29], $0x2800, $0x38;
	[tilespmem:$0x9800] =	vst v63  }
0x1d: {  	_ =	swait.ge [sflag:s10], $0x2800  }
0x1e: {  	[sflag:s10] =	ssyncset.done $0x0  }
0x1f: {  	s31 =	sadd.s32 $0x0, s9;
	[sflag:s10] =	ssyncadd.s32 $0xFFFFD800  }
0x20: {  	[tilespmem:s11], [sflag:$0x1] =	stream.linear.gather [hbm4b:s31+s3], $0x800, $0x38;
	[tilespmem:$0x9800] =	vst v63  }
0x21: {  	_ =	swait.ge [sflag:s10], $0x800  }
0x22: {  	[sflag:s10] =	ssyncset.done $0x0  }
0x23: {  	[sflag:s10] =	ssyncadd.s32 $0xFFFFF800  }
0x24: {  	[spmem:s2] =	stream.indirect.scatter.add.f32 [tilespmem:s11], [sflag:$0x1], $0x10, s30, s12, $0xb8;
	[tilespmem:$0x9800] =	vst v63  }
0x25: {  	s15 =	simm.s32 $0x100;
	_ =	swait.ge [sflag:s10], $0x800  }
0x26: {  	s16 =	simm.s32 $0x200;
	s14 =	simm.s32 $0x2880;
	[sflag:s10] =	ssyncset.done $0x0  }
.LBB2_4:
0x27: {  	s17 =	sadd.s32 s15, s9  }
0x28: {  	[sflag:s10] =	ssyncadd.s32 $0xFFFFF800;
	s15 =	smov.u32 s16;
	s18 =	sadd.s32 $0x100, s16  }
0x29: {  	[tilespmem:s11], [sflag:$0x1] =	stream.linear.gather [hbm4b:s17+s3], $0x800, $0x38;
	[tilespmem:$0x9800] =	vst v63  }
0x2a: {  	p1 =	sne.s32 s16, $0x4F00;
	_ =	swait.ge [sflag:s10], $0x800  }
.Ltmp1:
0x2b: {  	[sflag:s10] =	ssyncset.done $0x0;
	(pc) =	sbr.rel @p1 .LBB2_4-.Ltmp1, $4  }
0x2c: {  	[sflag:s10] =	ssyncadd.s32 $0xFFFFF800  }
0x2d: {  	[spmem:s2] =	stream.indirect.scatter.add.f32 [tilespmem:s11], [sflag:$0x1], $0x10, s14, s12, $0xb8;
	[tilespmem:$0x9800] =	vst v63  }
0x2e: {  	_ =	swait.ge [sflag:s10], $0x800  }
0x2f: {  	s16 =	smov.u32 s18;
	s14 =	sadd.s32 $0x80, s14;
	[sflag:s10] =	ssyncset.done $0x0  }
0x30: {  	s15 =	sadd.s32 s15, s9;
	[sflag:s10] =	ssyncadd.s32 $0xFFFFF800  }
0x31: {  	[tilespmem:s11], [sflag:$0x1] =	stream.linear.gather [hbm4b:s15+s3], $0x800, $0x38;
	[tilespmem:$0x9800] =	vst v63  }
0x32: {  	_ =	swait.ge [sflag:s10], $0x800  }
0x33: {  	[sflag:s10] =	ssyncset.done $0x0  }
0x34: {  	[sflag:s10] =	ssyncadd.s32 $0xFFFFF800  }
0x35: {  	[spmem:s2] =	stream.indirect.scatter.add.f32 [tilespmem:s11], [sflag:$0x1], $0x10, s14, s12, $0xb8;
	[tilespmem:$0x9800] =	vst v63  }
0x36: {  	_ =	swait.ge [sflag:s10], $0x800  }
0x37: {  	[sflag:s10] =	ssyncset.done $0x0  }
0x38: {  	[sflag:s10] =	ssyncadd.s32 $0xFFFFF800  }
0x39: {  	s15 =	simm.s32 @!p0 $0x1;
	s14 =	simm.s32 @!p0 $0x5800;
	[bflag:$0x0] =	sbarrier.arrive $0xFFFF  }
0x3a: {  	[tilespmem:s14], [sflag:$0x1] =	stream.linear.gather @!p0 [spmem:s6], $0x3E80, $0x38;
	[tilespmem:$0x9800] =	vst v63  }
0x3b: {  	s13 =	sadd.s32 $0x1, s13;
	_ =	swait.ge @!p0 [sflag:s15], $0x3E80  }
0x3c: {  	p1 =	sne.s32 s13, s8;
	[sflag:s15] =	ssyncset.done @!p0 $0x0  }
.Ltmp2:
0x3d: {  	s16 =	simm.s32 @!p0 $0x0;
	[sflag:s15] =	ssyncadd.s32 @!p0 $0xFFFFC180;
	(pc) =	sbr.rel @p1 .LBB2_1-.Ltmp2, $4  }
0x3e: {  	[hbm4b:s7+s16] =	stream.linear.scatter @!p0 [tilespmem:s14], [sflag:$0x1], $0x3E80, $0x38;
	[tilespmem:$0x9800] =	vst v63  }
0x3f: {  	_ =	swait.ge @!p0 [sflag:s15], $0x3E80  }
0x40: {  	[sflag:s15] =	ssyncset.done @!p0 $0x0  }
0x41: {  	[sflag:s15] =	ssyncadd.s32 @!p0 $0xFFFFC180  }
0x42: {  	_ =	sfence.sel $0x180000  }
0x43: {  	[bflag:$0x0] =	sbarrier.arrive $0xFFFF  }
0x44: {  	p0 =	sne.s32 s1, $0x0;
	_ =	strace $0x9000004A  }
0x45: {  	s0 =	sadd.s32 @!p0 $0x100000, s0;
	[bflag:$0x2] =	sbarrier.arrive $0xFFFF  }
0x46: {  	[sflag:s0] =	ssyncadd.tile.s32 @!p0 $0x1;
	_ =	shalt  }
.Lfunc_end2:
_tile_overlayer_lowered:
.L_overlay_start_2:
0x47: {  	(tag) =	ssettag $0x2  }
0x48: {  	s0 =	rddreg [dreg:$0x0];
	s2 =	stileid.u32  }
0x49: {  	s1 =	rddreg [dreg:$0x1];
	p0 =	sne.s32 s2, $0x0  }
0x4a: {  	s3 =	rddreg [dreg:$0x2];
	[bflag:$0x3] =	sbarrier.arrive $0xFFFF;
	s2 =	simm.s32 @!p0 $0x1C01  }
0x4b: {  	[timem:s3], [sflag:s2] =	dma.local @!p0 [hbm:s0], s1  }
0x4c: {  	s0 =	simm.s32 @!p0 $0x1  }
0x4d: {  	_ =	swait.ge @!p0 [sflag:s0], s1  }
0x4e: {  	s1 =	ssub.s32 @!p0 $0x0, s1;
	[sflag:s0] =	ssyncset.done @!p0 $0x0  }
0x4f: {  	[sflag:s0] =	ssyncadd.s32 @!p0 s1  }
0x50: {  	[bflag:$0x3] =	sbarrier.arrive $0xFFFF  }
0x51: {  	_ =	shalt  }

// kernel: kernel.7.cloned.1.call-start
scs
__scs_entry_jumppad:
0x0: {  	(pc) =	sbr.rel $0x88, $3  }
0x1: {  	(tag) =	ssettag $0x0;
	lr =	simm.s32 $0x1  }
0x2: {  	[smem:$0x3F96] =	sst lr;
	_ =	strace $0xD0000000  }
0x3: {  	_ = 	snop  }
0x4: {  	_ = 	snop  }
0x5: {  	_ = 	snop  }
0x6: {  	_ = 	snop  }
0x7: {  	_ = 	snop  }
__scs_overlays_trampoline_lowered:
0x8: {  	[smem:$0x3FA5] =	sst s0  }
0x9: {  	[smem:$0x3FA6] =	sst s1  }
0xa: {  	[smem:$0x3FA7] =	sst s2  }
0xb: {  	[smem:$0x3FA8] =	sst s3  }
0xc: {  	[smem:$0x3FA9] =	sst s4  }
0xd: {  	[smem:$0x3FAA] =	sst s5  }
0xe: {  	[smem:$0x3FAB] =	sst s6  }
0xf: {  	[smem:$0x3FAC] =	sst s7  }
0x10: {  	[smem:$0x3FAD] =	sst s8  }
0x11: {  	[smem:$0x3FAE] =	sst s9;
	s0 =	simm.s32 @!p0 $0x0  }
0x12: {  	s1 =	sld [smem:$0x3F94];
	s0 =	simm.s32 @p0 $0x1  }
0x13: {  	[smem:$0x3FAF] =	sst s0;
	s0 =	simm.s32 @!p1 $0x0  }
0x14: {  	s2 =	sld [smem:$0x3F93];
	s0 =	simm.s32 @p1 $0x1  }
0x15: {  	[smem:$0x3FB0] =	sst s0;
	s0 =	simm.s32 @!p2 $0x0  }
0x16: {  	s3 =	sld [smem:$0x3FDB];
	s0 =	simm.s32 @p2 $0x1  }
0x17: {  	s4 =	simm.s32 $0x1BF5;
	[smem:$0x3FB2] =	sst s0  }
0x18: {  	s0 =	sld [smem:$0x3F95];
	_ =	swait.ge [sflag:s4], $0x0  }
0x19: {  	s7 =	sld [smem:$0x3F96]  }
0x1a: {  	s8 =	sadd.s32 $0xFFFFE003, lr  }
0x1b: {  	s9 =	sadd.s32 $0xFFFFFEF7, lr;
	s5 =	simm.s32 $0xFFFFFFFF;
	p2 =	slt.u32 s8, $0xFFFFF086  }
0x1c: {  	p1 =	slt.u32 s9, $0xF7A;
	s5 =	simm.s32 @!p2 $0x0  }
0x1d: {  	s5 =	simm.s32 @p1 $0x1;
	p0 =	seq.s32 s7, s2  }
0x1e: {  	s7 =	smul.u32 @!p0 $0xF7A, s2;
	p2 =	seq.s32 @!p0 s5, $0x0  }
0x1f: {  	s9 =	smul.u32 $0xF7A, s1;
	s8 =	simm.s32 @!p0 $0x1BF5;
	p2 =	por !p2, p0  }
0x20: {  	[sflag:s8] =	ssyncset.s32 @!p0 $0xFFFFF086;
	s6 =	sadd.s32 @!p0 s3, s7;
	s7 =	simm.s32 @!p0 $0x108  }
0x21: {  	s3 =	sadd.s32 s3, s9;
	s6 =	sadd.s32 @!p0 $0x88, s6;
	s7 =	simm.s32 @p2 $0x1082  }
0x22: {  	[simem:s7], [sflag:s8] =	dma.local @!p0 [hbm:s6], $0xF7A  }
0x23: {  	s9 =	sor.u32 $0xD0000000, s2;
	s6 =	simm.s32 $0x108;
	_ =	swait.ge @!p0 [sflag:s8], $0x0  }
0x24: {  	s3 =	sadd.s32 $0x88, s3;
	s6 =	simm.s32 @!p1 $0x1082;
	[sflag:s4] =	ssyncset.s32 $0xFFFFF086  }
0x25: {  	[simem:s6], [sflag:s4] =	dma.local [hbm:s3], $0xF7A  }
0x26: {  	[smem:$0x3F96] =	sst s1;
	(tag) =	ssettag s2;
	_ =	strace s9  }
0x27: {  	s1 =	sld [smem:$0x3FA6]  }
0x28: {  	s2 =	sld [smem:$0x3FA7]  }
0x29: {  	s4 =	sld [smem:$0x3FA9]  }
0x2a: {  	p0 =	seq.s32 s5, $0x0;
	s5 =	sld [smem:$0x3FAA]  }
0x2b: {  	s6 =	sld [smem:$0x3FAB]  }
0x2c: {  	s7 =	sld [smem:$0x3FAC]  }
0x2d: {  	s3 =	simm.s32 $0x108;
	s8 =	sld [smem:$0x3FAD]  }
0x2e: {  	s3 =	simm.s32 @!p0 $0x1082;
	s9 =	sld [smem:$0x3FAE]  }
0x2f: {  	lr =	sadd.s32 s0, s3;
	s0 =	sld [smem:$0x3FA5]  }
0x30: {  	s3 =	sld [smem:$0x3FA8]  }
0x31: {  	[smem:$0x3FB1] =	sst s10  }
0x32: {  	s10 =	sld [smem:$0x3FAF];
	_ =	sdelay $0x3  }
0x33: {  	p0 =	seq.s32 s10, $0x1;
	s10 =	sld [smem:$0x3FB1];
	_ =	sdelay $0x3  }
0x34: {  	[smem:$0x3FB1] =	sst s10  }
0x35: {  	s10 =	sld [smem:$0x3FB0];
	_ =	sdelay $0x3  }
0x36: {  	p1 =	seq.s32 s10, $0x1;
	s10 =	sld [smem:$0x3FB1];
	_ =	sdelay $0x3  }
0x37: {  	[smem:$0x3FB1] =	sst s10  }
0x38: {  	s10 =	sld [smem:$0x3FB2]  }
0x39: {  	_ = 	snop;
	(pc) =	sbr.ind lr, $3  }
0x3a: {  	_ = 	snop  }
0x3b: {  	_ = 	snop  }
0x3c: {  	p2 =	seq.s32 s10, $0x1;
	s10 =	sld [smem:$0x3FB1]  }
0x3d: {  	_ =	shalt  }
0x3e: {  	_ =	shalt  }
0x3f: {  	_ =	shalt  }
0x40: {  	_ =	shalt  }
0x41: {  	_ =	shalt  }
0x42: {  	_ =	shalt  }
0x43: {  	_ =	shalt  }
0x44: {  	_ =	shalt  }
0x45: {  	_ =	shalt  }
0x46: {  	_ =	shalt  }
0x47: {  	_ =	shalt  }
0x48: {  	_ =	shalt  }
0x49: {  	_ =	shalt  }
0x4a: {  	_ =	shalt  }
0x4b: {  	_ =	shalt  }
0x4c: {  	_ =	shalt  }
0x4d: {  	_ =	shalt  }
0x4e: {  	_ =	shalt  }
0x4f: {  	_ =	shalt  }
0x50: {  	_ =	shalt  }
0x51: {  	_ =	shalt  }
0x52: {  	_ =	shalt  }
0x53: {  	_ =	shalt  }
0x54: {  	_ =	shalt  }
0x55: {  	_ =	shalt  }
0x56: {  	_ =	shalt  }
0x57: {  	_ =	shalt  }
0x58: {  	_ =	shalt  }
0x59: {  	_ =	shalt  }
0x5a: {  	_ =	shalt  }
0x5b: {  	_ =	shalt  }
0x5c: {  	_ =	shalt  }
0x5d: {  	_ =	shalt  }
0x5e: {  	_ =	shalt  }
0x5f: {  	_ =	shalt  }
0x60: {  	_ =	shalt  }
0x61: {  	_ =	shalt  }
0x62: {  	_ =	shalt  }
0x63: {  	_ =	shalt  }
0x64: {  	_ =	shalt  }
0x65: {  	_ =	shalt  }
0x66: {  	_ =	shalt  }
0x67: {  	_ =	shalt  }
0x68: {  	_ =	shalt  }
0x69: {  	_ =	shalt  }
0x6a: {  	_ =	shalt  }
0x6b: {  	_ =	shalt  }
0x6c: {  	_ =	shalt  }
0x6d: {  	_ =	shalt  }
0x6e: {  	_ =	shalt  }
0x6f: {  	_ =	shalt  }
0x70: {  	_ =	shalt  }
0x71: {  	_ =	shalt  }
0x72: {  	_ =	shalt  }
0x73: {  	_ =	shalt  }
0x74: {  	_ =	shalt  }
0x75: {  	_ =	shalt  }
0x76: {  	_ =	shalt  }
0x77: {  	_ =	shalt  }
0x78: {  	_ =	shalt  }
0x79: {  	_ =	shalt  }
0x7a: {  	_ =	shalt  }
0x7b: {  	_ =	shalt  }
0x7c: {  	_ =	shalt  }
0x7d: {  	_ =	shalt  }
0x7e: {  	_ =	shalt  }
0x7f: {  	_ =	shalt  }
0x80: {  	_ =	shalt  }
0x81: {  	_ =	shalt  }
0x82: {  	_ =	shalt  }
0x83: {  	_ =	shalt  }
0x84: {  	_ =	shalt  }
0x85: {  	_ =	shalt  }
0x86: {  	_ =	shalt  }
0x87: {  	_ =	shalt  }
.Lfunc_end0:
.L_simem_size_0:
called_computation_lowered:
.L_overlay_start_0:
0x88: {  	s2 =	sld [smem:$0x3FD9]  }
0x89: {  	s3 =	sld [smem:$0x3FFE];
	_ =	sdelay $0x1  }
0x8a: {  	s1 =	srdreg.scid  }
0x8b: {  	s0 =	sand.u32 $0x1, s1  }
0x8c: {  	s14 =	sshll.u32 s0, $0xA;
	s2 =	sadd.s32 s3, s2  }
0x8d: {  	s2 =	sadd.s32 s2, s14  }
0x8e: {  	[smem:$0x3FBD] =	sst s2  }
0x8f: {  	_ = 	snop  }
0x90: {  	s2 =	sld [smem:$0x3FD0];
	_ =	sdelay $0x2  }
0x91: {  	s15 =	simm.s32 $0xA;
	s4 =	simm.s32 $0x10  }
0x92: {  	[smem:s4], [sflag:s15] =	dma.local [hbm:s2], $0x1  }
0x93: {  	_ =	swait.eq [sflag:s15], $0x1  }
0x94: {  	[sflag:s15] =	ssyncset.done $0x0  }
0x95: {  	s16 =	sld [smem:$0x10];
	[sflag:s15] =	ssyncadd.s32 $0xFFFFFFFF  }
0x96: {  	s17 =	sld [smem:$0x11];
	(tm) =	ssettm $0x1  }
0x97: {  	s18 =	sld [smem:$0x3FFB];
	_ =	sdelay $0x3  }
0x98: {  	_ =	strace s18  }
0x99: {  	s4 =	sld [smem:$0x3FFC];
	_ =	sdelay $0x3  }
0x9a: {  	_ =	strace s4  }
0x9b: {  	s4 =	sld [smem:$0x3FFD];
	_ =	sdelay $0x3  }
0x9c: {  	_ =	strace s4  }
0x9d: {  	_ =	strace $0x8FFFFFFF  }
0x9e: {  	s19 =	sld [smem:$0x3FDB];
	_ =	sdelay $0x1  }
0x9f: {  	s5 =	simm.s32 $_scs_section_size  }
0xa0: {  	s6 =	simm.s32 $_size__tile_overlayer_lowered;
	s7 =	simm.s32 $_tile_overlayer_lowered  }
0xa1: {  	s22 =	simm.s32 $0x1BFF;
	s21 =	sshll.u32 s7, $0x1;
	s4 =	sadd.s32 s5, s19  }
0xa2: {  	s8 =	simm.s32 $0x0;
	s20 =	sshll.u32 s6, $0x1;
	s6 =	sadd.s32 s21, s4  }
0xa3: {  	[timem:s8], [sflag:s22] =	dma.local [hbm:s6], s20  }
0xa4: {  	_ =	swait.ge [sflag:s22], s20  }
0xa5: {  	s5 =	ssub.s32 $0x0, s20;
	[sflag:s22] =	ssyncset.done $0x0  }
0xa6: {  	[sflag:s22] =	ssyncadd.s32 s5;
	_ =	sdelay $0x1  }
0xa7: {  	s23 =	simm.s32 $0x1B8B  }
0xa8: {  	_ =	swait.ge [sflag:s23], $0x1  }
0xa9: {  	[sflag:s23] =	ssyncset.done $0x0  }
0xaa: {  	s25 =	simm.s32 $0x1B8E;
	s24 =	sld [smem:$0x3FFE];
	[sflag:s23] =	ssyncadd.s32 $0xFFFFFFFF  }
0xab: {  	s26 =	simm.s32 $execute0_lowered;
	[smem:$0x3FD2] =	sst s25  }
0xac: {  	s6 =	sshll.u32 s26, $0x1;
	_ =	strace $0x80000046;
	[dreg:$0x1] =	wrdreg $0xFFFFFFFF  }
0xad: {  	s28 =	simm.s32 $_size_execute0_lowered;
	s4 =	sadd.s32 s4, s6;
	[dreg:$0x0] =	wrdreg $0x0  }
0xae: {  	s6 =	sshll.u32 s28, $0x1;
	[dreg:$0x2] =	wrdreg s4  }
0xaf: {  	[dreg:$0x3] =	wrdreg s6  }
0xb0: {  	[dreg:$0x4] =	wrdreg $0xC0  }
0xb1: {  	_ =	task [dreg:s8], $0x5FFFF  }
0xb2: {  	[dreg:$0x1] =	wrdreg $0xFFFFFFFF  }
0xb3: {  	[dreg:$0x0] =	wrdreg $0x60  }
0xb4: {  	[dreg:$0x2] =	wrdreg s16  }
0xb5: {  	[dreg:$0x3] =	wrdreg s17  }
0xb6: {  	[dreg:$0x4] =	wrdreg s24  }
0xb7: {  	[dreg:$0x5] =	wrdreg $0x9  }
0xb8: {  	_ =	task.clear_ibuf [dreg:s8], $0x6FFFF;
	_ =	strace $0x90000046  }
0xb9: {  	s29 =	simm.s32 $0x9;
	_ =	strace $0x80000048  }
0xba: {  	_ =	swait.ge [sflag:s29], $0x1  }
0xbb: {  	[sflag:s29] =	ssyncadd.s32 $0xFFFFFFFF  }
0xbc: {  	_ =	strace $0x90000048  }
0xbd: {  	_ =	sfence  }
0xbe: {  	s30 =	sld [smem:$0x0];
	_ =	sdelay $0x2  }
0xbf: {  	s31 =	sshll.u32 s1, $0xD;
	s1 =	sshrl.u32 s1, $0x2  }
0xc0: {  	s3 =	sand.u32 $0x4000, s31;
	s1 =	sadd.s32 s1, s30  }
0xc1: {  	s0 =	sor.u32 s3, s0;
	s1 =	sshll.u32 s1, $0x11  }
0xc2: {  	s0 =	sor.u32 s1, s0  }
0xc3: {  	s0 =	sadd.s32 $0x8F2B, s0  }
0xc4: {  	[sflag:s0] =	ssyncadd.remote.s32 $0x1  }
0xc5: {  	_ =	sfence.sel $0xFFFF  }
0xc6: {  	[dreg:$0x0] =	wrdreg $0xFFFFFFFF;
	(pc) =	sbr.abs _section_cstart, $3  }
0xc7: {  	[dreg:$0x1] =	wrdreg $0xFFFFFFFF  }
0xc8: {  	_ =	task.clear_ibuf [dreg:s8], $0x2FFFF;
	_ =	strace $0x9FFFFFFF  }
0xc9: {  	(tm) =	ssettm $0x7FFFFFFF  }
tec
execute0_lowered:
.L_overlay_start_1:
0x0: {  	(tag) =	ssettag $0x1  }
0x1: {  	s1 =	rddreg [dreg:$0x0]  }
0x2: {  	s3 =	rddreg [dreg:$0x1];
	s0 =	srdreg.scid  }
0x3: {  	s10 =	stileid.u32;
	s2 =	rddreg [dreg:$0x2]  }
0x4: {  	s4 =	simm.s32 $0x0;
	s18 =	simm.s32 $0x3;
	s28 =	simm.s32 $0x2  }
0x5: {  	s29 =	simm.s32 $0x0;
	s0 =	sand.u32 $0x1, s0;
	s6 =	smul.u32 $0x5000, s10  }
0x6: {  	s5 =	sshll.u32 s10, $0x1;
	[smem:$0x7FF] =	sst s4;
	s25 =	smul.u32 $0x50000, s10  }
0x7: {  	s12 =	sadd.s32 $0x21A00, s2;
	s13 =	sadd.s32 $0x521A00, s2;
	s8 =	smul.u32 $0x2800, s0  }
0x8: {  	s5 =	sor.u32 s0, s5;
	s7 =	ssub.s32 $0x2, s0;
	s14 =	smul.u32 $0x28000, s0  }
0x9: {  	_ =	strace $0x80000047;
	s5 =	smul.u32 $0x2800, s5;
	s9 =	sshrl.u32 s7, $0x1  }
0xa: {  	s30 =	sadd.s32 s25, s12;
	s31 =	sadd.s32 s25, s13;
	s25 =	simm.s32 $0x15000  }
0xb: {  	s19 =	ssub.s32 s7, s9;
	s6 =	sadd.s32 s8, s6;
	s5 =	sshrl.u32 s5, $0x3  }
0xc: {  	s17 =	sadd.s32 s14, s31;
	s21 =	sshll.u32 s6, $0x4;
	s5 =	sadd.s32 s5, s2  }
0xd: {  	s2 =	smax.u32 s19, $0x1;
	s22 =	sor.u32 $0x2000, s21;
	s6 =	sor.u32 $0x1800, s21  }
0xe: {  	s26 =	sor.u32 $0x1000, s21;
	s20 =	sadd.s32 $0x17A00, s5;
	s5 =	sadd.s32 $0x3A00, s5  }
0xf: {  	[dreg:$0x6] =	wrdreg s2;
	s23 =	sadd.s32 s22, s12;
	s24 =	sadd.s32 s6, s12  }
0x10: {  	s10 =	sadd.s32 s26, s12;
	s19 =	sadd.s32 s22, s13;
	[dreg:$0x4] =	wrdreg s20  }
0x11: {  	s2 =	sadd.s32 s6, s13;
	s0 =	sadd.s32 s26, s13;
	[dreg:$0x5] =	wrdreg s5  }
0x12: {  	s22 =	simm.s32 $0x9000;
	s26 =	simm.s32 $0x1;
	[dreg:$0x7] =	wrdreg s23  }
0x13: {  	[dreg:$0x8] =	wrdreg s24;
	s5 =	sor.u32 $0x800, s21;
	s20 =	simm.s32 $0x80  }
0x14: {  	s21 =	simm.s32 $0x5000;
	s23 =	simm.s32 $0xD000;
	s24 =	simm.s32 $0x11000  }
0x15: {  	s11 =	sadd.s32 s5, s12;
	s12 =	sadd.s32 s14, s30;
	s16 =	sadd.s32 s5, s13  }
.LBB2_1:
0x16: {  	s5 =	rddreg [dreg:$0x4]  }
0x17: {  	[tilespmem:s4], [sflag:$0x3] =	stream.linear.gather [hbm4b:s5+s4], $0x2800, $0x38;
	[tilespmem:$0x19000] =	vst v63  }
0x18: {  	_ =	swait.ge [sflag:s18], $0x2800  }
0x19: {  	[sflag:s18] =	ssyncset.done $0x0  }
0x1a: {  	s6 =	simm.s32 $0x2800;
	s15 =	rddreg [dreg:$0x5];
	[sflag:s18] =	ssyncadd.s32 $0xFFFFD800  }
0x1b: {  	[tilespmem:s6], [sflag:$0x3] =	stream.linear.gather [hbm4b:s15+s4], $0x2800, $0x38;
	[tilespmem:$0x19000] =	vst v63  }
0x1c: {  	_ =	swait.ge [sflag:s18], $0x2800  }
0x1d: {  	[sflag:s18] =	ssyncset.done $0x0  }
0x1e: {  	s7 =	simm.s32 $0x0;
	[sflag:s18] =	ssyncadd.s32 $0xFFFFD800  }
0x1f: {  	[tilespmem:s21], [sflag:$0x1] =	stream.indirect.gather [hbm4b:s1+s20], $0x80, s7, s20, $0xb8;
	[tilespmem:$0x19000] =	vst v63  }
0x20: {  	s8 =	simm.s32 $0x80  }
0x21: {  	[tilespmem:s22], [sflag:$0x1] =	stream.indirect.gather [hbm4b:s1+s20], $0x80, s8, s20, $0xb8;
	[tilespmem:$0x19000] =	vst v63  }
0x22: {  	s9 =	simm.s32 $0x100  }
0x23: {  	[tilespmem:s23], [sflag:$0x1] =	stream.indirect.gather [hbm4b:s1+s20], $0x80, s9, s20, $0xb8;
	[tilespmem:$0x19000] =	vst v63  }
0x24: {  	s13 =	simm.s32 $0x180  }
0x25: {  	[tilespmem:s24], [sflag:$0x1] =	stream.indirect.gather [hbm4b:s1+s20], $0x80, s13, s20, $0xb8;
	[tilespmem:$0x19000] =	vst v63  }
0x26: {  	s14 =	simm.s32 $0x200  }
0x27: {  	[tilespmem:s25], [sflag:$0x1] =	stream.indirect.gather [hbm4b:s1+s20], $0x80, s14, s20, $0xb8;
	[tilespmem:$0x19000] =	vst v63  }
0x28: {  	_ =	swait.ge [sflag:s26], $0x4000  }
0x29: {  	[sflag:s26] =	ssyncset.done $0x0  }
0x2a: {  	[sflag:s26] =	ssyncadd.s32 $0xFFFFC000  }
0x2b: {  	_ =	swait.ge [sflag:s26], $0x4000  }
0x2c: {  	[sflag:s26] =	ssyncset.done $0x0  }
0x2d: {  	[sflag:s26] =	ssyncadd.s32 $0xFFFFC000  }
0x2e: {  	_ =	swait.ge [sflag:s26], $0x4000  }
0x2f: {  	[sflag:s26] =	ssyncset.done $0x0  }
0x30: {  	[sflag:s26] =	ssyncadd.s32 $0xFFFFC000  }
0x31: {  	_ =	swait.ge [sflag:s26], $0x4000  }
0x32: {  	[sflag:s26] =	ssyncset.done $0x0  }
0x33: {  	[sflag:s26] =	ssyncadd.s32 $0xFFFFC000  }
0x34: {  	_ =	swait.ge [sflag:s26], $0x4000  }
0x35: {  	[sflag:s26] =	ssyncset.done $0x0  }
0x36: {  	[sflag:s26] =	ssyncadd.s32 $0xFFFFC000  }
0x37: {  	[hbm4b:s12+s4] =	stream.linear.scatter [tilespmem:s21], [sflag:$0x2], $0x4000, $0x38;
	[tilespmem:$0x19000] =	vst v63  }
0x38: {  	_ = 	snop  }
0x39: {  	[hbm4b:s11+s4] =	stream.linear.scatter [tilespmem:s22], [sflag:$0x2], $0x4000, $0x38;
	[tilespmem:$0x19000] =	vst v63  }
0x3a: {  	_ = 	snop  }
0x3b: {  	[hbm4b:s10+s4] =	stream.linear.scatter [tilespmem:s23], [sflag:$0x2], $0x4000, $0x38;
	[tilespmem:$0x19000] =	vst v63  }
0x3c: {  	s7 =	rddreg [dreg:$0x8]  }
0x3d: {  	[hbm4b:s7+s4] =	stream.linear.scatter [tilespmem:s24], [sflag:$0x2], $0x4000, $0x38;
	[tilespmem:$0x19000] =	vst v63  }
0x3e: {  	s15 =	rddreg [dreg:$0x7]  }
0x3f: {  	[hbm4b:s15+s4] =	stream.linear.scatter [tilespmem:s25], [sflag:$0x2], $0x4000, $0x38;
	[tilespmem:$0x19000] =	vst v63  }
0x40: {  	_ =	swait.ge [sflag:s28], $0x4000  }
0x41: {  	[sflag:s28] =	ssyncset.done $0x0  }
0x42: {  	[sflag:s28] =	ssyncadd.s32 $0xFFFFC000  }
0x43: {  	_ =	swait.ge [sflag:s28], $0x4000  }
0x44: {  	[sflag:s28] =	ssyncset.done $0x0  }
0x45: {  	[sflag:s28] =	ssyncadd.s32 $0xFFFFC000  }
0x46: {  	_ =	swait.ge [sflag:s28], $0x4000  }
0x47: {  	[sflag:s28] =	ssyncset.done $0x0  }
0x48: {  	[sflag:s28] =	ssyncadd.s32 $0xFFFFC000  }
0x49: {  	_ =	swait.ge [sflag:s28], $0x4000  }
0x4a: {  	s30 =	sadd.s32 $0x2800, s11;
	[sflag:s28] =	ssyncset.done $0x0  }
0x4b: {  	s5 =	simm.s32 $0xA00;
	s8 =	simm.s32 $0x1400;
	[sflag:s28] =	ssyncadd.s32 $0xFFFFC000  }
0x4c: {  	s13 =	sadd.s32 $0x2800, s12;
	s14 =	sadd.s32 $0x2800, s10;
	_ =	swait.ge [sflag:s28], $0x4000  }
0x4d: {  	s31 =	sadd.s32 $0x2800, s7;
	s15 =	sadd.s32 $0x2800, s15;
	[sflag:s28] =	ssyncset.done $0x0  }
.LBB2_2:
0x4e: {  	s7 =	sshra.s32 s5, $0x2  }
0x4f: {  	[sflag:s28] =	ssyncadd.s32 $0xFFFFC000;
	s5 =	smov.u32 s8;
	s6 =	sadd.s32 $0xA00, s8  }
0x50: {  	[tilespmem:s21], [sflag:$0x1] =	stream.indirect.gather [hbm4b:s1+s20], $0x80, s7, s20, $0xb8;
	[tilespmem:$0x19000] =	vst v63  }
0x51: {  	p0 =	sne.s32 s8, $0x9600;
	s8 =	sadd.s32 $0x80, s7  }
0x52: {  	[tilespmem:s22], [sflag:$0x1] =	stream.indirect.gather [hbm4b:s1+s20], $0x80, s8, s20, $0xb8;
	[tilespmem:$0x19000] =	vst v63  }
0x53: {  	s8 =	sadd.s32 $0x100, s7  }
0x54: {  	[tilespmem:s23], [sflag:$0x1] =	stream.indirect.gather [hbm4b:s1+s20], $0x80, s8, s20, $0xb8;
	[tilespmem:$0x19000] =	vst v63  }
0x55: {  	s8 =	sadd.s32 $0x180, s7  }
0x56: {  	[tilespmem:s24], [sflag:$0x1] =	stream.indirect.gather [hbm4b:s1+s20], $0x80, s8, s20, $0xb8;
	[tilespmem:$0x19000] =	vst v63  }
0x57: {  	s7 =	sadd.s32 $0x200, s7  }
0x58: {  	[tilespmem:s25], [sflag:$0x1] =	stream.indirect.gather [hbm4b:s1+s20], $0x80, s7, s20, $0xb8;
	[tilespmem:$0x19000] =	vst v63  }
0x59: {  	_ =	swait.ge [sflag:s26], $0x4000  }
0x5a: {  	[sflag:s26] =	ssyncset.done $0x0  }
0x5b: {  	[sflag:s26] =	ssyncadd.s32 $0xFFFFC000  }
0x5c: {  	_ =	swait.ge [sflag:s26], $0x4000  }
0x5d: {  	[sflag:s26] =	ssyncset.done $0x0  }
0x5e: {  	[sflag:s26] =	ssyncadd.s32 $0xFFFFC000  }
0x5f: {  	_ =	swait.ge [sflag:s26], $0x4000  }
0x60: {  	[sflag:s26] =	ssyncset.done $0x0  }
0x61: {  	[sflag:s26] =	ssyncadd.s32 $0xFFFFC000  }
0x62: {  	_ =	swait.ge [sflag:s26], $0x4000  }
0x63: {  	[sflag:s26] =	ssyncset.done $0x0  }
0x64: {  	[sflag:s26] =	ssyncadd.s32 $0xFFFFC000  }
0x65: {  	_ =	swait.ge [sflag:s26], $0x4000  }
0x66: {  	[sflag:s26] =	ssyncset.done $0x0  }
0x67: {  	s7 =	simm.s32 $0x0;
	[sflag:s26] =	ssyncadd.s32 $0xFFFFC000  }
0x68: {  	[hbm4b:s13+s7] =	stream.linear.scatter [tilespmem:s21], [sflag:$0x2], $0x4000, $0x38;
	[tilespmem:$0x19000] =	vst v63  }
0x69: {  	_ = 	snop  }
0x6a: {  	[hbm4b:s30+s7] =	stream.linear.scatter [tilespmem:s22], [sflag:$0x2], $0x4000, $0x38;
	[tilespmem:$0x19000] =	vst v63  }
0x6b: {  	_ = 	snop  }
0x6c: {  	[hbm4b:s14+s7] =	stream.linear.scatter [tilespmem:s23], [sflag:$0x2], $0x4000, $0x38;
	[tilespmem:$0x19000] =	vst v63  }
0x6d: {  	_ = 	snop  }
0x6e: {  	[hbm4b:s31+s7] =	stream.linear.scatter [tilespmem:s24], [sflag:$0x2], $0x4000, $0x38;
	[tilespmem:$0x19000] =	vst v63  }
0x6f: {  	_ = 	snop  }
0x70: {  	[hbm4b:s15+s7] =	stream.linear.scatter [tilespmem:s25], [sflag:$0x2], $0x4000, $0x38;
	[tilespmem:$0x19000] =	vst v63  }
0x71: {  	_ =	swait.ge [sflag:s28], $0x4000  }
0x72: {  	[sflag:s28] =	ssyncset.done $0x0  }
0x73: {  	[sflag:s28] =	ssyncadd.s32 $0xFFFFC000  }
0x74: {  	_ =	swait.ge [sflag:s28], $0x4000  }
0x75: {  	[sflag:s28] =	ssyncset.done $0x0  }
0x76: {  	[sflag:s28] =	ssyncadd.s32 $0xFFFFC000  }
0x77: {  	_ =	swait.ge [sflag:s28], $0x4000  }
0x78: {  	[sflag:s28] =	ssyncset.done $0x0  }
0x79: {  	[sflag:s28] =	ssyncadd.s32 $0xFFFFC000  }
.Ltmp0:
0x7a: {  	_ =	swait.ge [sflag:s28], $0x4000;
	(pc) =	sbr.rel @p0 .LBB2_2-.Ltmp0, $4  }
0x7b: {  	[sflag:s28] =	ssyncset.done $0x0  }
0x7c: {  	s8 =	smov.u32 s6;
	s13 =	sadd.s32 $0x2800, s13;
	[sflag:s28] =	ssyncadd.s32 $0xFFFFC000  }
0x7d: {  	s30 =	sadd.s32 $0x2800, s30;
	s14 =	sadd.s32 $0x2800, s14;
	_ =	swait.ge [sflag:s28], $0x4000  }
0x7e: {  	s31 =	sadd.s32 $0x2800, s31;
	s15 =	sadd.s32 $0x2800, s15;
	[sflag:s28] =	ssyncset.done $0x0  }
0x7f: {  	s5 =	sshra.s32 s5, $0x2;
	[sflag:s28] =	ssyncadd.s32 $0xFFFFC000  }
0x80: {  	[tilespmem:s21], [sflag:$0x1] =	stream.indirect.gather [hbm4b:s1+s20], $0x80, s5, s20, $0xb8;
	[tilespmem:$0x19000] =	vst v63  }
0x81: {  	s6 =	sadd.s32 $0x80, s5  }
0x82: {  	[tilespmem:s22], [sflag:$0x1] =	stream.indirect.gather [hbm4b:s1+s20], $0x80, s6, s20, $0xb8;
	[tilespmem:$0x19000] =	vst v63  }
0x83: {  	s8 =	sadd.s32 $0x100, s5  }
0x84: {  	[tilespmem:s23], [sflag:$0x1] =	stream.indirect.gather [hbm4b:s1+s20], $0x80, s8, s20, $0xb8;
	[tilespmem:$0x19000] =	vst v63  }
0x85: {  	s9 =	sadd.s32 $0x180, s5  }
0x86: {  	[tilespmem:s24], [sflag:$0x1] =	stream.indirect.gather [hbm4b:s1+s20], $0x80, s9, s20, $0xb8;
	[tilespmem:$0x19000] =	vst v63  }
0x87: {  	s5 =	sadd.s32 $0x200, s5  }
0x88: {  	[tilespmem:s25], [sflag:$0x1] =	stream.indirect.gather [hbm4b:s1+s20], $0x80, s5, s20, $0xb8;
	[tilespmem:$0x19000] =	vst v63  }
0x89: {  	_ =	swait.ge [sflag:s26], $0x4000  }
0x8a: {  	[sflag:s26] =	ssyncset.done $0x0  }
0x8b: {  	[sflag:s26] =	ssyncadd.s32 $0xFFFFC000  }
0x8c: {  	_ =	swait.ge [sflag:s26], $0x4000  }
0x8d: {  	[sflag:s26] =	ssyncset.done $0x0  }
0x8e: {  	[sflag:s26] =	ssyncadd.s32 $0xFFFFC000  }
0x8f: {  	_ =	swait.ge [sflag:s26], $0x4000  }
0x90: {  	[sflag:s26] =	ssyncset.done $0x0  }
0x91: {  	[sflag:s26] =	ssyncadd.s32 $0xFFFFC000  }
0x92: {  	_ =	swait.ge [sflag:s26], $0x4000  }
0x93: {  	[sflag:s26] =	ssyncset.done $0x0  }
0x94: {  	[sflag:s26] =	ssyncadd.s32 $0xFFFFC000  }
0x95: {  	_ =	swait.ge [sflag:s26], $0x4000  }
0x96: {  	[sflag:s26] =	ssyncset.done $0x0  }
0x97: {  	[sflag:s26] =	ssyncadd.s32 $0xFFFFC000  }
0x98: {  	[hbm4b:s13+s7] =	stream.linear.scatter [tilespmem:s21], [sflag:$0x2], $0x4000, $0x38;
	[tilespmem:$0x19000] =	vst v63  }
0x99: {  	_ = 	snop  }
0x9a: {  	[hbm4b:s30+s7] =	stream.linear.scatter [tilespmem:s22], [sflag:$0x2], $0x4000, $0x38;
	[tilespmem:$0x19000] =	vst v63  }
0x9b: {  	_ = 	snop  }
0x9c: {  	[hbm4b:s14+s7] =	stream.linear.scatter [tilespmem:s23], [sflag:$0x2], $0x4000, $0x38;
	[tilespmem:$0x19000] =	vst v63  }
0x9d: {  	_ = 	snop  }
0x9e: {  	[hbm4b:s31+s7] =	stream.linear.scatter [tilespmem:s24], [sflag:$0x2], $0x4000, $0x38;
	[tilespmem:$0x19000] =	vst v63  }
0x9f: {  	_ = 	snop  }
0xa0: {  	[hbm4b:s15+s7] =	stream.linear.scatter [tilespmem:s25], [sflag:$0x2], $0x4000, $0x38;
	[tilespmem:$0x19000] =	vst v63  }
0xa1: {  	_ =	swait.ge [sflag:s28], $0x4000  }
0xa2: {  	[sflag:s28] =	ssyncset.done $0x0  }
0xa3: {  	[sflag:s28] =	ssyncadd.s32 $0xFFFFC000  }
0xa4: {  	_ =	swait.ge [sflag:s28], $0x4000  }
0xa5: {  	[sflag:s28] =	ssyncset.done $0x0  }
0xa6: {  	[sflag:s28] =	ssyncadd.s32 $0xFFFFC000  }
0xa7: {  	_ =	swait.ge [sflag:s28], $0x4000  }
0xa8: {  	[sflag:s28] =	ssyncset.done $0x0  }
0xa9: {  	[sflag:s28] =	ssyncadd.s32 $0xFFFFC000  }
0xaa: {  	p1 =	por $0x1, $0x1;
	_ =	swait.ge [sflag:s28], $0x4000  }
.Ltmp1:
0xab: {  	[sflag:s28] =	ssyncset.done $0x0;
	(pc) =	sbr.rel @!p1 .LBB2_6-.Ltmp1, $4  }
0xac: {  	p0 =	por $0x0, $0x0;
	[sflag:s28] =	ssyncadd.s32 $0xFFFFC000  }
0xad: {  	s13 =	smov.u32 s19;
	s30 =	smov.u32 s16;
	_ =	swait.ge [sflag:s28], $0x4000  }
0xae: {  	s14 =	smov.u32 s2;
	s31 =	smov.u32 s17;
	[sflag:s28] =	ssyncset.done $0x0  }
0xaf: {  	s7 =	simm.s32 $0x0;
	s15 =	smov.u32 s0;
	[sflag:s28] =	ssyncadd.s32 $0xFFFFC000  }
0xb0: {  	s5 =	simm.s32 $0x2800  }
0xb1: {  	[tilespmem:s21], [sflag:$0x1] =	stream.indirect.gather [hbm4b:s3+s20], $0x80, s5, s20, $0xb8;
	[tilespmem:$0x19000] =	vst v63  }
0xb2: {  	s9 =	simm.s32 $0x2880  }
0xb3: {  	[tilespmem:s22], [sflag:$0x1] =	stream.indirect.gather [hbm4b:s3+s20], $0x80, s9, s20, $0xb8;
	[tilespmem:$0x19000] =	vst v63  }
0xb4: {  	s13 =	simm.s32 $0x2900  }
0xb5: {  	[tilespmem:s23], [sflag:$0x1] =	stream.indirect.gather [hbm4b:s3+s20], $0x80, s13, s20, $0xb8;
	[tilespmem:$0x19000] =	vst v63  }
0xb6: {  	s14 =	simm.s32 $0x2980  }
0xb7: {  	[tilespmem:s24], [sflag:$0x1] =	stream.indirect.gather [hbm4b:s3+s20], $0x80, s14, s20, $0xb8;
	[tilespmem:$0x19000] =	vst v63  }
0xb8: {  	s15 =	simm.s32 $0x2A00  }
0xb9: {  	[tilespmem:s25], [sflag:$0x1] =	stream.indirect.gather [hbm4b:s3+s20], $0x80, s15, s20, $0xb8;
	[tilespmem:$0x19000] =	vst v63  }
0xba: {  	_ =	swait.ge [sflag:s26], $0x4000  }
0xbb: {  	[sflag:s26] =	ssyncset.done $0x0  }
0xbc: {  	[sflag:s26] =	ssyncadd.s32 $0xFFFFC000  }
0xbd: {  	_ =	swait.ge [sflag:s26], $0x4000  }
0xbe: {  	[sflag:s26] =	ssyncset.done $0x0  }
0xbf: {  	[sflag:s26] =	ssyncadd.s32 $0xFFFFC000  }
0xc0: {  	_ =	swait.ge [sflag:s26], $0x4000  }
0xc1: {  	[sflag:s26] =	ssyncset.done $0x0  }
0xc2: {  	[sflag:s26] =	ssyncadd.s32 $0xFFFFC000  }
0xc3: {  	_ =	swait.ge [sflag:s26], $0x4000  }
0xc4: {  	[sflag:s26] =	ssyncset.done $0x0  }
0xc5: {  	[sflag:s26] =	ssyncadd.s32 $0xFFFFC000  }
0xc6: {  	_ =	swait.ge [sflag:s26], $0x4000  }
0xc7: {  	[sflag:s26] =	ssyncset.done $0x0  }
0xc8: {  	[sflag:s26] =	ssyncadd.s32 $0xFFFFC000  }
0xc9: {  	[hbm4b:s17+s4] =	stream.linear.scatter [tilespmem:s21], [sflag:$0x2], $0x4000, $0x38;
	[tilespmem:$0x19000] =	vst v63  }
0xca: {  	_ = 	snop  }
0xcb: {  	[hbm4b:s16+s4] =	stream.linear.scatter [tilespmem:s22], [sflag:$0x2], $0x4000, $0x38;
	[tilespmem:$0x19000] =	vst v63  }
0xcc: {  	_ = 	snop  }
0xcd: {  	[hbm4b:s0+s4] =	stream.linear.scatter [tilespmem:s23], [sflag:$0x2], $0x4000, $0x38;
	[tilespmem:$0x19000] =	vst v63  }
0xce: {  	_ = 	snop  }
0xcf: {  	[hbm4b:s2+s4] =	stream.linear.scatter [tilespmem:s24], [sflag:$0x2], $0x4000, $0x38;
	[tilespmem:$0x19000] =	vst v63  }
0xd0: {  	_ = 	snop  }
0xd1: {  	[hbm4b:s19+s4] =	stream.linear.scatter [tilespmem:s25], [sflag:$0x2], $0x4000, $0x38;
	[tilespmem:$0x19000] =	vst v63  }
0xd2: {  	_ =	swait.ge [sflag:s28], $0x4000  }
0xd3: {  	[sflag:s28] =	ssyncset.done $0x0  }
0xd4: {  	[sflag:s28] =	ssyncadd.s32 $0xFFFFC000  }
0xd5: {  	_ =	swait.ge [sflag:s28], $0x4000  }
0xd6: {  	[sflag:s28] =	ssyncset.done $0x0  }
0xd7: {  	[sflag:s28] =	ssyncadd.s32 $0xFFFFC000  }
0xd8: {  	_ =	swait.ge [sflag:s28], $0x4000  }
0xd9: {  	[sflag:s28] =	ssyncset.done $0x0  }
0xda: {  	p1 =	por $0x1, $0x1;
	[sflag:s28] =	ssyncadd.s32 $0xFFFFC000  }
.Ltmp2:
0xdb: {  	_ =	swait.ge [sflag:s28], $0x4000;
	(pc) =	sbr.rel @!p1 .LBB2_6-.Ltmp2, $4  }
0xdc: {  	s30 =	sadd.s32 $0x2800, s16;
	s31 =	sadd.s32 $0x2800, s17;
	[sflag:s28] =	ssyncset.done $0x0  }
0xdd: {  	s7 =	simm.s32 $0x280;
	p0 =	por $0x1, $0x1;
	[sflag:s28] =	ssyncadd.s32 $0xFFFFC000  }
0xde: {  	s5 =	simm.s32 $0x1400;
	s13 =	sadd.s32 $0x2800, s19;
	_ =	swait.ge [sflag:s28], $0x4000  }
0xdf: {  	s14 =	sadd.s32 $0x2800, s2;
	s15 =	sadd.s32 $0x2800, s0;
	[sflag:s28] =	ssyncset.done $0x0  }
.LBB2_5:
0xe0: {  	s9 =	sadd.s32 $0x2800, s7  }
0xe1: {  	[sflag:s28] =	ssyncadd.s32 $0xFFFFC000;
	s6 =	smov.u32 s5;
	s8 =	sadd.s32 $0xA00, s5  }
0xe2: {  	[tilespmem:s21], [sflag:$0x1] =	stream.indirect.gather [hbm4b:s3+s20], $0x80, s9, s20, $0xb8;
	[tilespmem:$0x19000] =	vst v63  }
0xe3: {  	p1 =	sne.s32 s5, $0x9600;
	s5 =	sadd.s32 $0x2880, s7  }
0xe4: {  	[tilespmem:s22], [sflag:$0x1] =	stream.indirect.gather [hbm4b:s3+s20], $0x80, s5, s20, $0xb8;
	[tilespmem:$0x19000] =	vst v63  }
0xe5: {  	s5 =	sadd.s32 $0x2900, s7  }
0xe6: {  	[tilespmem:s23], [sflag:$0x1] =	stream.indirect.gather [hbm4b:s3+s20], $0x80, s5, s20, $0xb8;
	[tilespmem:$0x19000] =	vst v63  }
0xe7: {  	s5 =	sadd.s32 $0x2980, s7  }
0xe8: {  	[tilespmem:s24], [sflag:$0x1] =	stream.indirect.gather [hbm4b:s3+s20], $0x80, s5, s20, $0xb8;
	[tilespmem:$0x19000] =	vst v63  }
0xe9: {  	s5 =	sadd.s32 $0x2A00, s7  }
0xea: {  	[tilespmem:s25], [sflag:$0x1] =	stream.indirect.gather [hbm4b:s3+s20], $0x80, s5, s20, $0xb8;
	[tilespmem:$0x19000] =	vst v63  }
0xeb: {  	_ =	swait.ge [sflag:s26], $0x4000  }
0xec: {  	[sflag:s26] =	ssyncset.done $0x0  }
0xed: {  	[sflag:s26] =	ssyncadd.s32 $0xFFFFC000  }
0xee: {  	_ =	swait.ge [sflag:s26], $0x4000  }
0xef: {  	[sflag:s26] =	ssyncset.done $0x0  }
0xf0: {  	[sflag:s26] =	ssyncadd.s32 $0xFFFFC000  }
0xf1: {  	_ =	swait.ge [sflag:s26], $0x4000  }
0xf2: {  	[sflag:s26] =	ssyncset.done $0x0  }
0xf3: {  	[sflag:s26] =	ssyncadd.s32 $0xFFFFC000  }
0xf4: {  	_ =	swait.ge [sflag:s26], $0x4000  }
0xf5: {  	[sflag:s26] =	ssyncset.done $0x0  }
0xf6: {  	[sflag:s26] =	ssyncadd.s32 $0xFFFFC000  }
0xf7: {  	_ =	swait.ge [sflag:s26], $0x4000  }
0xf8: {  	[sflag:s26] =	ssyncset.done $0x0  }
0xf9: {  	[sflag:s26] =	ssyncadd.s32 $0xFFFFC000  }
0xfa: {  	[hbm4b:s31+s4] =	stream.linear.scatter [tilespmem:s21], [sflag:$0x2], $0x4000, $0x38;
	[tilespmem:$0x19000] =	vst v63  }
0xfb: {  	_ = 	snop  }
0xfc: {  	[hbm4b:s30+s4] =	stream.linear.scatter [tilespmem:s22], [sflag:$0x2], $0x4000, $0x38;
	[tilespmem:$0x19000] =	vst v63  }
0xfd: {  	_ = 	snop  }
0xfe: {  	[hbm4b:s15+s4] =	stream.linear.scatter [tilespmem:s23], [sflag:$0x2], $0x4000, $0x38;
	[tilespmem:$0x19000] =	vst v63  }
0xff: {  	_ = 	snop  }
0x100: {  	[hbm4b:s14+s4] =	stream.linear.scatter [tilespmem:s24], [sflag:$0x2], $0x4000, $0x38;
	[tilespmem:$0x19000] =	vst v63  }
0x101: {  	_ = 	snop  }
0x102: {  	[hbm4b:s13+s4] =	stream.linear.scatter [tilespmem:s25], [sflag:$0x2], $0x4000, $0x38;
	[tilespmem:$0x19000] =	vst v63  }
0x103: {  	_ =	swait.ge [sflag:s28], $0x4000  }
0x104: {  	[sflag:s28] =	ssyncset.done $0x0  }
0x105: {  	[sflag:s28] =	ssyncadd.s32 $0xFFFFC000  }
0x106: {  	_ =	swait.ge [sflag:s28], $0x4000  }
0x107: {  	[sflag:s28] =	ssyncset.done $0x0  }
0x108: {  	[sflag:s28] =	ssyncadd.s32 $0xFFFFC000  }
0x109: {  	_ =	swait.ge [sflag:s28], $0x4000  }
0x10a: {  	[sflag:s28] =	ssyncset.done $0x0  }
0x10b: {  	[sflag:s28] =	ssyncadd.s32 $0xFFFFC000  }
.Ltmp3:
0x10c: {  	_ =	swait.ge [sflag:s28], $0x4000;
	(pc) =	sbr.rel @p1 .LBB2_5-.Ltmp3, $4  }
0x10d: {  	s7 =	sshra.s32 s6, $0x2;
	[sflag:s28] =	ssyncset.done $0x0  }
0x10e: {  	s31 =	sadd.s32 $0x2800, s31;
	s30 =	sadd.s32 $0x2800, s30;
	[sflag:s28] =	ssyncadd.s32 $0xFFFFC000  }
0x10f: {  	s15 =	sadd.s32 $0x2800, s15;
	s14 =	sadd.s32 $0x2800, s14;
	_ =	swait.ge [sflag:s28], $0x4000  }
0x110: {  	s5 =	smov.u32 s8;
	s13 =	sadd.s32 $0x2800, s13;
	[sflag:s28] =	ssyncset.done $0x0  }
.LBB2_6:
0x111: {  	s5 =	sadd.s32 $0x2800, s7;
	[sflag:s28] =	ssyncadd.s32 @p0 $0xFFFFC000  }
0x112: {  	[tilespmem:s21], [sflag:$0x1] =	stream.indirect.gather [hbm4b:s3+s20], $0x80, s5, s20, $0xb8;
	[tilespmem:$0x19000] =	vst v63  }
0x113: {  	s9 =	sadd.s32 $0x2880, s7  }
0x114: {  	[tilespmem:s22], [sflag:$0x1] =	stream.indirect.gather [hbm4b:s3+s20], $0x80, s9, s20, $0xb8;
	[tilespmem:$0x19000] =	vst v63  }
0x115: {  	s6 =	sadd.s32 $0x2900, s7  }
0x116: {  	[tilespmem:s23], [sflag:$0x1] =	stream.indirect.gather [hbm4b:s3+s20], $0x80, s6, s20, $0xb8;
	[tilespmem:$0x19000] =	vst v63  }
0x117: {  	s8 =	sadd.s32 $0x2980, s7  }
0x118: {  	[tilespmem:s24], [sflag:$0x1] =	stream.indirect.gather [hbm4b:s3+s20], $0x80, s8, s20, $0xb8;
	[tilespmem:$0x19000] =	vst v63  }
0x119: {  	s9 =	sadd.s32 $0x2A00, s7  }
0x11a: {  	[tilespmem:s25], [sflag:$0x1] =	stream.indirect.gather [hbm4b:s3+s20], $0x80, s9, s20, $0xb8;
	[tilespmem:$0x19000] =	vst v63  }
0x11b: {  	_ =	swait.ge [sflag:s26], $0x4000  }
0x11c: {  	[sflag:s26] =	ssyncset.done $0x0  }
0x11d: {  	[sflag:s26] =	ssyncadd.s32 $0xFFFFC000  }
0x11e: {  	_ =	swait.ge [sflag:s26], $0x4000  }
0x11f: {  	[sflag:s26] =	ssyncset.done $0x0  }
0x120: {  	[sflag:s26] =	ssyncadd.s32 $0xFFFFC000  }
0x121: {  	_ =	swait.ge [sflag:s26], $0x4000  }
0x122: {  	[sflag:s26] =	ssyncset.done $0x0  }
0x123: {  	[sflag:s26] =	ssyncadd.s32 $0xFFFFC000  }
0x124: {  	_ =	swait.ge [sflag:s26], $0x4000  }
0x125: {  	[sflag:s26] =	ssyncset.done $0x0  }
0x126: {  	[sflag:s26] =	ssyncadd.s32 $0xFFFFC000  }
0x127: {  	_ =	swait.ge [sflag:s26], $0x4000  }
0x128: {  	[sflag:s26] =	ssyncset.done $0x0  }
0x129: {  	[sflag:s26] =	ssyncadd.s32 $0xFFFFC000  }
0x12a: {  	[hbm4b:s31+s4] =	stream.linear.scatter [tilespmem:s21], [sflag:$0x2], $0x4000, $0x38;
	[tilespmem:$0x19000] =	vst v63  }
0x12b: {  	_ = 	snop  }
0x12c: {  	[hbm4b:s30+s4] =	stream.linear.scatter [tilespmem:s22], [sflag:$0x2], $0x4000, $0x38;
	[tilespmem:$0x19000] =	vst v63  }
0x12d: {  	_ = 	snop  }
0x12e: {  	[hbm4b:s15+s4] =	stream.linear.scatter [tilespmem:s23], [sflag:$0x2], $0x4000, $0x38;
	[tilespmem:$0x19000] =	vst v63  }
0x12f: {  	_ = 	snop  }
0x130: {  	[hbm4b:s14+s4] =	stream.linear.scatter [tilespmem:s24], [sflag:$0x2], $0x4000, $0x38;
	[tilespmem:$0x19000] =	vst v63  }
0x131: {  	_ = 	snop  }
0x132: {  	[hbm4b:s13+s4] =	stream.linear.scatter [tilespmem:s25], [sflag:$0x2], $0x4000, $0x38;
	[tilespmem:$0x19000] =	vst v63  }
0x133: {  	_ =	swait.ge [sflag:s28], $0x4000  }
0x134: {  	[sflag:s28] =	ssyncset.done $0x0  }
0x135: {  	[sflag:s28] =	ssyncadd.s32 $0xFFFFC000  }
0x136: {  	_ =	swait.ge [sflag:s28], $0x4000  }
0x137: {  	[sflag:s28] =	ssyncset.done $0x0  }
0x138: {  	[sflag:s28] =	ssyncadd.s32 $0xFFFFC000  }
0x139: {  	_ =	swait.ge [sflag:s28], $0x4000  }
0x13a: {  	[sflag:s28] =	ssyncset.done $0x0  }
0x13b: {  	[sflag:s28] =	ssyncadd.s32 $0xFFFFC000  }
0x13c: {  	_ =	swait.ge [sflag:s28], $0x4000  }
0x13d: {  	[sflag:s28] =	ssyncset.done $0x0  }
0x13e: {  	[sflag:s28] =	ssyncadd.s32 $0xFFFFC000  }
0x13f: {  	_ =	swait.ge [sflag:s28], $0x4000  }
0x140: {  	s29 =	sadd.s32 $0x1, s29;
	s31 =	rddreg [dreg:$0x6]  }
0x141: {  	p0 =	sne.s32 s29, s31  }
.Ltmp4:
0x142: {  	_ = 	snop;
	(pc) =	sbr.rel @p0 .LBB2_1-.Ltmp4, $3  }
0x143: {  	_ =	sdelay $0x1  }
0x144: {  	[sflag:s28] =	ssyncset.done $0x0  }
0x145: {  	[sflag:s28] =	ssyncadd.s32 $0xFFFFC000  }
0x146: {  	_ =	sfence.sel $0x180000  }
0x147: {  	[bflag:$0x0] =	sbarrier.arrive $0xFFFF  }
0x148: {  	_ =	strace $0x90000047  }
0x149: {  	s0 =	stileid.u32;
	[bflag:$0x2] =	sbarrier.arrive $0xFFFF  }
0x14a: {  	p0 =	sne.s32 s0, $0x0;
	s0 =	rddreg [dreg:$0x3]  }
0x14b: {  	s0 =	sadd.s32 @!p0 $0x100000, s0  }
0x14c: {  	[sflag:s0] =	ssyncadd.tile.s32 @!p0 $0x1;
	_ =	shalt  }
.Lfunc_end2:
_tile_overlayer_lowered:
.L_overlay_start_2:
0x14d: {  	(tag) =	ssettag $0x2  }
0x14e: {  	s0 =	rddreg [dreg:$0x0];
	s2 =	stileid.u32  }
0x14f: {  	s1 =	rddreg [dreg:$0x1];
	p0 =	sne.s32 s2, $0x0  }
0x150: {  	s3 =	rddreg [dreg:$0x2];
	[bflag:$0x3] =	sbarrier.arrive $0xFFFF;
	s2 =	simm.s32 @!p0 $0x1C03  }
0x151: {  	[timem:s3], [sflag:s2] =	dma.local @!p0 [hbm:s0], s1  }
0x152: {  	s0 =	simm.s32 @!p0 $0x3  }
0x153: {  	_ =	swait.ge @!p0 [sflag:s0], s1  }
0x154: {  	s1 =	ssub.s32 @!p0 $0x0, s1;
	[sflag:s0] =	ssyncset.done @!p0 $0x0  }
0x155: {  	[sflag:s0] =	ssyncadd.s32 @!p0 s1  }
0x156: {  	[bflag:$0x3] =	sbarrier.arrive $0xFFFF  }
0x157: {  	_ =	shalt  }

</sc_bundles>
